<compile_context>
chip_gen: v7x
topology: tpu7x:2x2x1
jax: 0.10.2.dev20260603
libtpu: 0.0.44.dev20260713+nightly
codegen_flags: <defaults>
</compile_context>

<pallas_src>
import functools

import jax
import jax.numpy as jnp
from jax import lax
from jax.experimental import pallas as pl
from jax.experimental.pallas import tpu as pltpu
from jax.experimental.pallas import tpu_sc as plsc

CH = 8


def _sc_add_kernel(B, S, H, NC, NS):
    NW = NC * NS
    rows_per_w = S // NW
    n_chunks = rows_per_w // CH
    mesh = plsc.VectorSubcoreMesh(core_axis_name="c", subcore_axis_name="s")

    @functools.partial(
        pl.kernel,
        mesh=mesh,
        out_type=jax.ShapeDtypeStruct((B, S, H), jnp.float32),
        scratch_types=(
            [pltpu.VMEM((CH, H), jnp.float32) for _ in range(2)]
            + [pltpu.VMEM((CH, H), jnp.float32) for _ in range(2 * B)]
            + [pltpu.SemaphoreType.DMA for _ in range(2)]
            + [pltpu.SemaphoreType.DMA for _ in range(2 * B)]
            + [pltpu.SemaphoreType.DMA for _ in range(2 * B)]
        ),
    )
    def k(x_hbm, pe_hbm, out_hbm, *scr):
        pbs = scr[0:2]
        xbs = scr[2 : 2 + 2 * B]
        sps = scr[2 + 2 * B : 4 + 2 * B]
        sis = scr[4 + 2 * B : 4 + 4 * B]
        sos = scr[4 + 4 * B : 4 + 6 * B]
        wid = lax.axis_index("s") * NC + lax.axis_index("c")
        seq0 = wid * rows_per_w

        def x_src(b, base):
            return x_hbm.at[b, pl.ds(base, CH)]

        def pe_src(base):
            return pe_hbm.at[pl.ds(base, CH)]

        pltpu.async_copy(pe_src(seq0), pbs[0], sps[0])
        pltpu.async_copy(pe_src(seq0 + CH), pbs[1], sps[1])
        for b in range(B):
            pltpu.async_copy(x_src(b, seq0), xbs[b], sis[b])

        def half_body(cc, carry):
            for i in range(2):
                c = 2 * cc + i
                base = seq0 + c * CH
                pe_v = pbs[i]
                pltpu.make_async_copy(pe_src(base), pe_v, sps[i]).wait()
                for b in range(B):
                    p = i * B + b
                    pn = (1 - i) * B + b
                    xb = xbs[p]
                    pltpu.make_async_copy(x_src(b, base), xb, sis[p]).wait()

                    @pl.when(c > 0)
                    def _(b=b, pn=pn, base=base):
                        pltpu.make_async_copy(
                            xbs[pn], out_hbm.at[b, pl.ds(base - CH, CH)], sos[pn]
                        ).wait()
                        nbase = jnp.minimum(base + CH, seq0 + (n_chunks - 1) * CH)
                        pltpu.async_copy(x_src(b, nbase), xbs[pn], sis[pn])

                    @pl.when(c == 0)
                    def _(b=b, pn=pn, base=base):
                        pltpu.async_copy(x_src(b, base + CH), xbs[pn], sis[pn])

                    def row_body(r, carry2, xb=xb, pe_v=pe_v):
                        @plsc.parallel_loop(0, H // 16, unroll=8)
                        def jloop(j):
                            sl = pl.ds(j * 16, 16)
                            plsc.addupdate(xb.at[r, sl], pe_v[r, sl])

                        return carry2

                    lax.fori_loop(0, CH, row_body, 0)

                    pltpu.async_copy(xb, out_hbm.at[b, pl.ds(base, CH)], sos[p])

                nbase = seq0 + jnp.minimum(c + 2, n_chunks - 1) * CH
                pltpu.async_copy(pe_src(nbase), pe_v, sps[i])
            return carry

        lax.fori_loop(0, n_chunks // 2, half_body, 0)

        last = seq0 + (n_chunks - 1) * CH
        for b in range(B):
            pltpu.make_async_copy(
                xbs[B + b], out_hbm.at[b, pl.ds(last, CH)], sos[B + b]
            ).wait()
            pltpu.make_async_copy(x_src(b, last), xbs[b], sis[b]).wait()
        pltpu.make_async_copy(pe_src(last), pbs[0], sps[0]).wait()
        pltpu.make_async_copy(pe_src(last), pbs[1], sps[1]).wait()

    return k


def kernel(x, pe):
    B, S, H = x.shape
    info = plsc.get_sparse_core_info()
    k = _sc_add_kernel(B, S, H, info.num_cores, info.num_subcores)
    return k(x, pe)

# --- scband reference (transcript-rebuilt; emitter-appended) ---
"""Pipeline reference for scband-learned-pos-encoding-52261162058017 (READ-ONLY COPY).

The authoritative reference and input builder live on the scoring server;
editing this copy changes nothing except your own understanding.
"""

import jax, jax.numpy as jnp
import numpy as np

HIDDEN_DIM = 1024
CONTEXT_WINDOW = 8192
BATCH = 4
SEQ = 8192


def setup_inputs(seed: int = 0) -> dict:
    key = jax.random.key(seed)
    kx, kpe = jax.random.split(key)
    x = jax.random.normal(kx, (BATCH, SEQ, HIDDEN_DIM), dtype=jnp.float32)
    # Learned positional embedding table, init like torch.nn.Embedding (N(0,1))
    pe = jax.random.normal(kpe, (CONTEXT_WINDOW, HIDDEN_DIM), dtype=jnp.float32)
    return {"x": x, "pe": pe}


def reference(x, pe):
    # positions = arange(S), shape (1, S); embedding lookup then broadcast add
    positions = jnp.arange(x.shape[1])[None, :]  # (1, S)
    pos_emb = jnp.take(pe, positions, axis=0)     # (1, S, H)
    return x + pos_emb

if __name__ == "__main__":
    import jax
    _d = setup_inputs()
    print(jax.jit(kernel)(*tuple(_d.values())))

</pallas_src>

<mosaic_0001>
#map = affine_map<(d0, d1) -> (0, 0, 0)>
#map1 = affine_map<(d0, d1) -> (0, 0)>
module attributes {stable_mosaic.version = 14 : i64} {
  func.func @k(%arg0: i32, %arg1: i32, %arg2: memref<4x8192x1024xf32, #tpu.memory_space<hbm>>, %arg3: memref<8192x1024xf32, #tpu.memory_space<hbm>>, %arg4: memref<4x8192x1024xf32, #tpu.memory_space<hbm>>, %arg5: memref<8x1024xf32, #tpu.memory_space<vmem>>, %arg6: memref<8x1024xf32, #tpu.memory_space<vmem>>, %arg7: memref<8x1024xf32, #tpu.memory_space<vmem>>, %arg8: memref<8x1024xf32, #tpu.memory_space<vmem>>, %arg9: memref<8x1024xf32, #tpu.memory_space<vmem>>, %arg10: memref<8x1024xf32, #tpu.memory_space<vmem>>, %arg11: memref<8x1024xf32, #tpu.memory_space<vmem>>, %arg12: memref<8x1024xf32, #tpu.memory_space<vmem>>, %arg13: memref<8x1024xf32, #tpu.memory_space<vmem>>, %arg14: memref<8x1024xf32, #tpu.memory_space<vmem>>, %arg15: memref<!tpu.dma_semaphore, #tpu.memory_space<semaphore_mem>>, %arg16: memref<!tpu.dma_semaphore, #tpu.memory_space<semaphore_mem>>, %arg17: memref<!tpu.dma_semaphore, #tpu.memory_space<semaphore_mem>>, %arg18: memref<!tpu.dma_semaphore, #tpu.memory_space<semaphore_mem>>, %arg19: memref<!tpu.dma_semaphore, #tpu.memory_space<semaphore_mem>>, %arg20: memref<!tpu.dma_semaphore, #tpu.memory_space<semaphore_mem>>, %arg21: memref<!tpu.dma_semaphore, #tpu.memory_space<semaphore_mem>>, %arg22: memref<!tpu.dma_semaphore, #tpu.memory_space<semaphore_mem>>, %arg23: memref<!tpu.dma_semaphore, #tpu.memory_space<semaphore_mem>>, %arg24: memref<!tpu.dma_semaphore, #tpu.memory_space<semaphore_mem>>, %arg25: memref<!tpu.dma_semaphore, #tpu.memory_space<semaphore_mem>>, %arg26: memref<!tpu.dma_semaphore, #tpu.memory_space<semaphore_mem>>, %arg27: memref<!tpu.dma_semaphore, #tpu.memory_space<semaphore_mem>>, %arg28: memref<!tpu.dma_semaphore, #tpu.memory_space<semaphore_mem>>, %arg29: memref<!tpu.dma_semaphore, #tpu.memory_space<semaphore_mem>>, %arg30: memref<!tpu.dma_semaphore, #tpu.memory_space<semaphore_mem>>, %arg31: memref<!tpu.dma_semaphore, #tpu.memory_space<semaphore_mem>>, %arg32: memref<!tpu.dma_semaphore, #tpu.memory_space<semaphore_mem>>) attributes {dimension_semantics = [#tpu.dimension_semantics<core_parallel>, #tpu.dimension_semantics<subcore_parallel>], iteration_bounds = array<i64: 2, 16>, scalar_prefetch = 0 : i64, scratch_operands = 28 : i64, tpu.core_type = #tpu.core_type<sc_vector_subcore>, window_params = [{transform_indices = #map}, {transform_indices = #map1}, {transform_indices = #map}]} {
    %mul3A = arith.constant 2 : i32
    %mul3A_0 = arith.muli %arg1, %mul3A : i32
    %add3A = arith.addi %mul3A_0, %arg0 : i32
    %mul3A_1 = arith.constant 256 : i32
    %mul3A_2 = arith.muli %add3A, %mul3A_1 : i32
    %dma_start3A = arith.constant 0 : i32
    %dma_start3A_3 = tpu.memref_slice %arg3[%mul3A_2, %dma_start3A] : memref<8192x1024xf32, #tpu.memory_space<hbm>> -> memref<8x1024xf32, #tpu.memory_space<hbm>>
    %dma_start3A_4 = arith.constant 0 : i32
    %dma_start3A_5 = tpu.memref_slice %arg3[%mul3A_2, %dma_start3A_4] : memref<8192x1024xf32, #tpu.memory_space<hbm>> -> memref<8x1024xf32, #tpu.memory_space<hbm>>
    tpu.enqueue_dma source(%dma_start3A_5 : memref<8x1024xf32, #tpu.memory_space<hbm>>) target(%arg5 : memref<8x1024xf32, #tpu.memory_space<vmem>>) target_semaphore(%arg15 : memref<!tpu.dma_semaphore, #tpu.memory_space<semaphore_mem>>)
    %add3A_6 = arith.constant 8 : i32
    %add3A_7 = arith.addi %mul3A_2, %add3A_6 : i32
    %dma_start3A_8 = arith.constant 0 : i32
    %dma_start3A_9 = tpu.memref_slice %arg3[%add3A_7, %dma_start3A_8] : memref<8192x1024xf32, #tpu.memory_space<hbm>> -> memref<8x1024xf32, #tpu.memory_space<hbm>>
    %dma_start3A_10 = arith.constant 0 : i32
    %dma_start3A_11 = tpu.memref_slice %arg3[%add3A_7, %dma_start3A_10] : memref<8192x1024xf32, #tpu.memory_space<hbm>> -> memref<8x1024xf32, #tpu.memory_space<hbm>>
    tpu.enqueue_dma source(%dma_start3A_11 : memref<8x1024xf32, #tpu.memory_space<hbm>>) target(%arg6 : memref<8x1024xf32, #tpu.memory_space<vmem>>) target_semaphore(%arg16 : memref<!tpu.dma_semaphore, #tpu.memory_space<semaphore_mem>>)
    %dma_start3A_12 = arith.constant 0 : i32
    %dma_start3A_13 = arith.constant 0 : i32
    %dma_start3A_14 = tpu.memref_slice %arg2[%dma_start3A_12, %mul3A_2, %dma_start3A_13] : memref<4x8192x1024xf32, #tpu.memory_space<hbm>> -> memref<1x8x1024xf32, #tpu.memory_space<hbm>>
    %dma_start3A_15 = tpu.memref_squeeze %dma_start3A_14 : memref<1x8x1024xf32, #tpu.memory_space<hbm>> -> memref<8x1024xf32, #tpu.memory_space<hbm>>
    %dma_start3A_16 = arith.constant 0 : i32
    %dma_start3A_17 = tpu.memref_slice %arg2[%dma_start3A_12, %mul3A_2, %dma_start3A_16] : memref<4x8192x1024xf32, #tpu.memory_space<hbm>> -> memref<1x8x1024xf32, #tpu.memory_space<hbm>>
    %dma_start3A_18 = tpu.memref_squeeze %dma_start3A_17 : memref<1x8x1024xf32, #tpu.memory_space<hbm>> -> memref<8x1024xf32, #tpu.memory_space<hbm>>
    tpu.enqueue_dma source(%dma_start3A_18 : memref<8x1024xf32, #tpu.memory_space<hbm>>) target(%arg7 : memref<8x1024xf32, #tpu.memory_space<vmem>>) target_semaphore(%arg17 : memref<!tpu.dma_semaphore, #tpu.memory_space<semaphore_mem>>)
    %dma_start3A_19 = arith.constant 1 : i32
    %dma_start3A_20 = arith.constant 0 : i32
    %dma_start3A_21 = tpu.memref_slice %arg2[%dma_start3A_19, %mul3A_2, %dma_start3A_20] : memref<4x8192x1024xf32, #tpu.memory_space<hbm>> -> memref<1x8x1024xf32, #tpu.memory_space<hbm>>
    %dma_start3A_22 = tpu.memref_squeeze %dma_start3A_21 : memref<1x8x1024xf32, #tpu.memory_space<hbm>> -> memref<8x1024xf32, #tpu.memory_space<hbm>>
    %dma_start3A_23 = arith.constant 0 : i32
    %dma_start3A_24 = tpu.memref_slice %arg2[%dma_start3A_19, %mul3A_2, %dma_start3A_23] : memref<4x8192x1024xf32, #tpu.memory_space<hbm>> -> memref<1x8x1024xf32, #tpu.memory_space<hbm>>
    %dma_start3A_25 = tpu.memref_squeeze %dma_start3A_24 : memref<1x8x1024xf32, #tpu.memory_space<hbm>> -> memref<8x1024xf32, #tpu.memory_space<hbm>>
    tpu.enqueue_dma source(%dma_start3A_25 : memref<8x1024xf32, #tpu.memory_space<hbm>>) target(%arg8 : memref<8x1024xf32, #tpu.memory_space<vmem>>) target_semaphore(%arg18 : memref<!tpu.dma_semaphore, #tpu.memory_space<semaphore_mem>>)
    %dma_start3A_26 = arith.constant 2 : i32
    %dma_start3A_27 = arith.constant 0 : i32
    %dma_start3A_28 = tpu.memref_slice %arg2[%dma_start3A_26, %mul3A_2, %dma_start3A_27] : memref<4x8192x1024xf32, #tpu.memory_space<hbm>> -> memref<1x8x1024xf32, #tpu.memory_space<hbm>>
    %dma_start3A_29 = tpu.memref_squeeze %dma_start3A_28 : memref<1x8x1024xf32, #tpu.memory_space<hbm>> -> memref<8x1024xf32, #tpu.memory_space<hbm>>
    %dma_start3A_30 = arith.constant 0 : i32
    %dma_start3A_31 = tpu.memref_slice %arg2[%dma_start3A_26, %mul3A_2, %dma_start3A_30] : memref<4x8192x1024xf32, #tpu.memory_space<hbm>> -> memref<1x8x1024xf32, #tpu.memory_space<hbm>>
    %dma_start3A_32 = tpu.memref_squeeze %dma_start3A_31 : memref<1x8x1024xf32, #tpu.memory_space<hbm>> -> memref<8x1024xf32, #tpu.memory_space<hbm>>
    tpu.enqueue_dma source(%dma_start3A_32 : memref<8x1024xf32, #tpu.memory_space<hbm>>) target(%arg9 : memref<8x1024xf32, #tpu.memory_space<vmem>>) target_semaphore(%arg19 : memref<!tpu.dma_semaphore, #tpu.memory_space<semaphore_mem>>)
    %dma_start3A_33 = arith.constant 3 : i32
    %dma_start3A_34 = arith.constant 0 : i32
    %dma_start3A_35 = tpu.memref_slice %arg2[%dma_start3A_33, %mul3A_2, %dma_start3A_34] : memref<4x8192x1024xf32, #tpu.memory_space<hbm>> -> memref<1x8x1024xf32, #tpu.memory_space<hbm>>
    %dma_start3A_36 = tpu.memref_squeeze %dma_start3A_35 : memref<1x8x1024xf32, #tpu.memory_space<hbm>> -> memref<8x1024xf32, #tpu.memory_space<hbm>>
    %dma_start3A_37 = arith.constant 0 : i32
    %dma_start3A_38 = tpu.memref_slice %arg2[%dma_start3A_33, %mul3A_2, %dma_start3A_37] : memref<4x8192x1024xf32, #tpu.memory_space<hbm>> -> memref<1x8x1024xf32, #tpu.memory_space<hbm>>
    %dma_start3A_39 = tpu.memref_squeeze %dma_start3A_38 : memref<1x8x1024xf32, #tpu.memory_space<hbm>> -> memref<8x1024xf32, #tpu.memory_space<hbm>>
    tpu.enqueue_dma source(%dma_start3A_39 : memref<8x1024xf32, #tpu.memory_space<hbm>>) target(%arg10 : memref<8x1024xf32, #tpu.memory_space<vmem>>) target_semaphore(%arg20 : memref<!tpu.dma_semaphore, #tpu.memory_space<semaphore_mem>>)
    %scan3A = arith.constant 0 : i32
    %scan3A_40 = arith.constant 0 : i32
    %scan3A_41 = arith.constant 16 : i32
    %scan3A_42 = arith.addi %scan3A_40, %scan3A_41 : i32
    %scan3A_43 = arith.constant 1 : i32
    scf.for %scan3A_110 = %scan3A_40 to %scan3A_42 step %scan3A_43  : i32 {
      %mul3A_111 = arith.constant 2 : i32
      %mul3A_112 = arith.muli %mul3A_111, %scan3A_110 : i32
      %add3A_113 = arith.constant 0 : i32
      %add3A_114 = arith.addi %mul3A_112, %add3A_113 : i32
      %mul3A_115 = arith.constant 8 : i32
      %mul3A_116 = arith.muli %add3A_114, %mul3A_115 : i32
      %add3A_117 = arith.addi %mul3A_2, %mul3A_116 : i32
      %dma_wait3A_118 = arith.constant 0 : i32
      %dma_wait3A_119 = tpu.memref_slice %arg3[%add3A_117, %dma_wait3A_118] : memref<8192x1024xf32, #tpu.memory_space<hbm>> -> memref<8x1024xf32, #tpu.memory_space<hbm>>
      %dma_wait3A_120 = arith.constant 0 : i32
      %dma_wait3A_121 = tpu.memref_slice %arg3[%add3A_117, %dma_wait3A_120] : memref<8192x1024xf32, #tpu.memory_space<hbm>> -> memref<8x1024xf32, #tpu.memory_space<hbm>>
      tpu.wait_dma2 semaphore(%arg15 : memref<!tpu.dma_semaphore, #tpu.memory_space<semaphore_mem>>) src(%dma_wait3A_121 : memref<8x1024xf32, #tpu.memory_space<hbm>>) dst(%arg5 : memref<8x1024xf32, #tpu.memory_space<vmem>>)
      %dma_wait3A_122 = arith.constant 0 : i32
      %dma_wait3A_123 = arith.constant 0 : i32
      %dma_wait3A_124 = tpu.memref_slice %arg2[%dma_wait3A_122, %add3A_117, %dma_wait3A_123] : memref<4x8192x1024xf32, #tpu.memory_space<hbm>> -> memref<1x8x1024xf32, #tpu.memory_space<hbm>>
      %dma_wait3A_125 = tpu.memref_squeeze %dma_wait3A_124 : memref<1x8x1024xf32, #tpu.memory_space<hbm>> -> memref<8x1024xf32, #tpu.memory_space<hbm>>
      %dma_wait3A_126 = arith.constant 0 : i32
      %dma_wait3A_127 = tpu.memref_slice %arg2[%dma_wait3A_122, %add3A_117, %dma_wait3A_126] : memref<4x8192x1024xf32, #tpu.memory_space<hbm>> -> memref<1x8x1024xf32, #tpu.memory_space<hbm>>
      %dma_wait3A_128 = tpu.memref_squeeze %dma_wait3A_127 : memref<1x8x1024xf32, #tpu.memory_space<hbm>> -> memref<8x1024xf32, #tpu.memory_space<hbm>>
      tpu.wait_dma2 semaphore(%arg17 : memref<!tpu.dma_semaphore, #tpu.memory_space<semaphore_mem>>) src(%dma_wait3A_128 : memref<8x1024xf32, #tpu.memory_space<hbm>>) dst(%arg7 : memref<8x1024xf32, #tpu.memory_space<vmem>>)
      %gt3A = arith.constant 0 : i32
      %gt3A_129 = arith.cmpi sgt, %add3A_114, %gt3A : i32
      %convert_element_type3A = arith.extui %gt3A_129 : i1 to i32
      %cond3A = arith.constant 0 : i32
      %cond3A_130 = arith.cmpi ne, %convert_element_type3A, %cond3A : i32
      scf.if %cond3A_130 {
        %sub3A = arith.constant 8 : i32
        %sub3A_390 = arith.subi %add3A_117, %sub3A : i32
        %dma_wait3A_391 = arith.constant 0 : i32
        %dma_wait3A_392 = arith.constant 0 : i32
        %dma_wait3A_393 = tpu.memref_slice %arg4[%dma_wait3A_391, %sub3A_390, %dma_wait3A_392] : memref<4x8192x1024xf32, #tpu.memory_space<hbm>> -> memref<1x8x1024xf32, #tpu.memory_space<hbm>>
        %dma_wait3A_394 = tpu.memref_squeeze %dma_wait3A_393 : memref<1x8x1024xf32, #tpu.memory_space<hbm>> -> memref<8x1024xf32, #tpu.memory_space<hbm>>
        %dma_wait3A_395 = arith.constant 0 : i32
        %dma_wait3A_396 = tpu.memref_slice %arg4[%dma_wait3A_391, %sub3A_390, %dma_wait3A_395] : memref<4x8192x1024xf32, #tpu.memory_space<hbm>> -> memref<1x8x1024xf32, #tpu.memory_space<hbm>>
        %dma_wait3A_397 = tpu.memref_squeeze %dma_wait3A_396 : memref<1x8x1024xf32, #tpu.memory_space<hbm>> -> memref<8x1024xf32, #tpu.memory_space<hbm>>
        tpu.wait_dma2 semaphore(%arg29 : memref<!tpu.dma_semaphore, #tpu.memory_space<semaphore_mem>>) src(%arg11 : memref<8x1024xf32, #tpu.memory_space<vmem>>) dst(%dma_wait3A_397 : memref<8x1024xf32, #tpu.memory_space<hbm>>)
        %add3A_398 = arith.constant 8 : i32
        %add3A_399 = arith.addi %add3A_117, %add3A_398 : i32
        %add3A_400 = arith.constant 248 : i32
        %add3A_401 = arith.addi %mul3A_2, %add3A_400 : i32
        %min3A_402 = arith.minsi %add3A_399, %add3A_401 : i32
        %dma_start3A_403 = arith.constant 0 : i32
        %dma_start3A_404 = arith.constant 0 : i32
        %dma_start3A_405 = tpu.memref_slice %arg2[%dma_start3A_403, %min3A_402, %dma_start3A_404] : memref<4x8192x1024xf32, #tpu.memory_space<hbm>> -> memref<1x8x1024xf32, #tpu.memory_space<hbm>>
        %dma_start3A_406 = tpu.memref_squeeze %dma_start3A_405 : memref<1x8x1024xf32, #tpu.memory_space<hbm>> -> memref<8x1024xf32, #tpu.memory_space<hbm>>
        %dma_start3A_407 = arith.constant 0 : i32
        %dma_start3A_408 = tpu.memref_slice %arg2[%dma_start3A_403, %min3A_402, %dma_start3A_407] : memref<4x8192x1024xf32, #tpu.memory_space<hbm>> -> memref<1x8x1024xf32, #tpu.memory_space<hbm>>
        %dma_start3A_409 = tpu.memref_squeeze %dma_start3A_408 : memref<1x8x1024xf32, #tpu.memory_space<hbm>> -> memref<8x1024xf32, #tpu.memory_space<hbm>>
        tpu.enqueue_dma source(%dma_start3A_409 : memref<8x1024xf32, #tpu.memory_space<hbm>>) target(%arg11 : memref<8x1024xf32, #tpu.memory_space<vmem>>) target_semaphore(%arg21 : memref<!tpu.dma_semaphore, #tpu.memory_space<semaphore_mem>>)
      } else {
      }
      %eq3A = arith.constant 0 : i32
      %eq3A_131 = arith.cmpi eq, %add3A_114, %eq3A : i32
      %convert_element_type3A_132 = arith.extui %eq3A_131 : i1 to i32
      %cond3A_133 = arith.constant 0 : i32
      %cond3A_134 = arith.cmpi ne, %convert_element_type3A_132, %cond3A_133 : i32
      scf.if %cond3A_134 {
        %add3A_390 = arith.constant 8 : i32
        %add3A_391 = arith.addi %add3A_117, %add3A_390 : i32
        %dma_start3A_392 = arith.constant 0 : i32
        %dma_start3A_393 = arith.constant 0 : i32
        %dma_start3A_394 = tpu.memref_slice %arg2[%dma_start3A_392, %add3A_391, %dma_start3A_393] : memref<4x8192x1024xf32, #tpu.memory_space<hbm>> -> memref<1x8x1024xf32, #tpu.memory_space<hbm>>
        %dma_start3A_395 = tpu.memref_squeeze %dma_start3A_394 : memref<1x8x1024xf32, #tpu.memory_space<hbm>> -> memref<8x1024xf32, #tpu.memory_space<hbm>>
        %dma_start3A_396 = arith.constant 0 : i32
        %dma_start3A_397 = tpu.memref_slice %arg2[%dma_start3A_392, %add3A_391, %dma_start3A_396] : memref<4x8192x1024xf32, #tpu.memory_space<hbm>> -> memref<1x8x1024xf32, #tpu.memory_space<hbm>>
        %dma_start3A_398 = tpu.memref_squeeze %dma_start3A_397 : memref<1x8x1024xf32, #tpu.memory_space<hbm>> -> memref<8x1024xf32, #tpu.memory_space<hbm>>
        tpu.enqueue_dma source(%dma_start3A_398 : memref<8x1024xf32, #tpu.memory_space<hbm>>) target(%arg11 : memref<8x1024xf32, #tpu.memory_space<vmem>>) target_semaphore(%arg21 : memref<!tpu.dma_semaphore, #tpu.memory_space<semaphore_mem>>)
      } else {
      }
      %scan3A_135 = arith.constant 0 : i32
      %scan3A_136 = arith.constant 0 : i32
      %scan3A_137 = arith.constant 8 : i32
      %scan3A_138 = arith.addi %scan3A_136, %scan3A_137 : i32
      %scan3A_139 = arith.constant 1 : i32
      scf.for %scan3A_390 = %scan3A_136 to %scan3A_138 step %scan3A_139  : i32 {
        %parallel_loop3A = arith.constant 0 : i32
        %parallel_loop3A_391 = arith.constant 64 : i32
        %parallel_loop3A_392 = arith.constant 1 : i32
        scf.for %parallel_loop3A_393 = %parallel_loop3A to %parallel_loop3A_391 step %parallel_loop3A_392  : i32 {
          %parallel_loop3A_394 = arith.constant 16 : i32
          %parallel_loop3A_395 = arith.muli %parallel_loop3A_393, %parallel_loop3A_394 : i32
          %parallel_loop3A_396 = arith.index_cast %scan3A_390 : i32 to index
          %parallel_loop3A_397 = arith.index_cast %parallel_loop3A_395 : i32 to index
          %parallel_loop3A_398 = tpu.vector_load %arg5[%parallel_loop3A_396, %parallel_loop3A_397] {strides = array<i32>} : memref<8x1024xf32, #tpu.memory_space<vmem>>, vector<1x16xf32>,
          %parallel_loop3A_399 = vector.shape_cast %parallel_loop3A_398 : vector<1x16xf32> to vector<16xf32>
          %parallel_loop3A_400 = arith.index_cast %scan3A_390 : i32 to index
          %parallel_loop3A_401 = arith.index_cast %parallel_loop3A_395 : i32 to index
          %parallel_loop3A_402 = tpu.vector_load %arg7[%parallel_loop3A_400, %parallel_loop3A_401] {strides = array<i32>} : memref<8x1024xf32, #tpu.memory_space<vmem>>, vector<1x16xf32>,
          %parallel_loop3A_403 = vector.shape_cast %parallel_loop3A_402 : vector<1x16xf32> to vector<16xf32>
          %parallel_loop3A_404 = vector.shape_cast %parallel_loop3A_399 : vector<16xf32> to vector<1x16xf32>
          tpu.vector_store %arg7[%parallel_loop3A_400, %parallel_loop3A_401], %parallel_loop3A_404 {add = true, strides = array<i32>} : memref<8x1024xf32, #tpu.memory_space<vmem>>, vector<1x16xf32>,
        } {sc.loop_unroll_factor = 8 : i64, sc.parallel_access}
      }
      %scan3A_140 = arith.constant 8 : i32
      %dma_start3A_141 = arith.constant 0 : i32
      %dma_start3A_142 = arith.constant 0 : i32
      %dma_start3A_143 = tpu.memref_slice %arg4[%dma_start3A_141, %add3A_117, %dma_start3A_142] : memref<4x8192x1024xf32, #tpu.memory_space<hbm>> -> memref<1x8x1024xf32, #tpu.memory_space<hbm>>
      %dma_start3A_144 = tpu.memref_squeeze %dma_start3A_143 : memref<1x8x1024xf32, #tpu.memory_space<hbm>> -> memref<8x1024xf32, #tpu.memory_space<hbm>>
      %dma_start3A_145 = arith.constant 0 : i32
      %dma_start3A_146 = tpu.memref_slice %arg4[%dma_start3A_141, %add3A_117, %dma_start3A_145] : memref<4x8192x1024xf32, #tpu.memory_space<hbm>> -> memref<1x8x1024xf32, #tpu.memory_space<hbm>>
      %dma_start3A_147 = tpu.memref_squeeze %dma_start3A_146 : memref<1x8x1024xf32, #tpu.memory_space<hbm>> -> memref<8x1024xf32, #tpu.memory_space<hbm>>
      tpu.enqueue_dma source(%arg7 : memref<8x1024xf32, #tpu.memory_space<vmem>>) target(%dma_start3A_147 : memref<8x1024xf32, #tpu.memory_space<hbm>>) target_semaphore(%arg25 : memref<!tpu.dma_semaphore, #tpu.memory_space<semaphore_mem>>)
      %dma_wait3A_148 = arith.constant 1 : i32
      %dma_wait3A_149 = arith.constant 0 : i32
      %dma_wait3A_150 = tpu.memref_slice %arg2[%dma_wait3A_148, %add3A_117, %dma_wait3A_149] : memref<4x8192x1024xf32, #tpu.memory_space<hbm>> -> memref<1x8x1024xf32, #tpu.memory_space<hbm>>
      %dma_wait3A_151 = tpu.memref_squeeze %dma_wait3A_150 : memref<1x8x1024xf32, #tpu.memory_space<hbm>> -> memref<8x1024xf32, #tpu.memory_space<hbm>>
      %dma_wait3A_152 = arith.constant 0 : i32
      %dma_wait3A_153 = tpu.memref_slice %arg2[%dma_wait3A_148, %add3A_117, %dma_wait3A_152] : memref<4x8192x1024xf32, #tpu.memory_space<hbm>> -> memref<1x8x1024xf32, #tpu.memory_space<hbm>>
      %dma_wait3A_154 = tpu.memref_squeeze %dma_wait3A_153 : memref<1x8x1024xf32, #tpu.memory_space<hbm>> -> memref<8x1024xf32, #tpu.memory_space<hbm>>
      tpu.wait_dma2 semaphore(%arg18 : memref<!tpu.dma_semaphore, #tpu.memory_space<semaphore_mem>>) src(%dma_wait3A_154 : memref<8x1024xf32, #tpu.memory_space<hbm>>) dst(%arg8 : memref<8x1024xf32, #tpu.memory_space<vmem>>)
      %gt3A_155 = arith.constant 0 : i32
      %gt3A_156 = arith.cmpi sgt, %add3A_114, %gt3A_155 : i32
      %convert_element_type3A_157 = arith.extui %gt3A_156 : i1 to i32
      %cond3A_158 = arith.constant 0 : i32
      %cond3A_159 = arith.cmpi ne, %convert_element_type3A_157, %cond3A_158 : i32
      scf.if %cond3A_159 {
        %sub3A = arith.constant 8 : i32
        %sub3A_390 = arith.subi %add3A_117, %sub3A : i32
        %dma_wait3A_391 = arith.constant 1 : i32
        %dma_wait3A_392 = arith.constant 0 : i32
        %dma_wait3A_393 = tpu.memref_slice %arg4[%dma_wait3A_391, %sub3A_390, %dma_wait3A_392] : memref<4x8192x1024xf32, #tpu.memory_space<hbm>> -> memref<1x8x1024xf32, #tpu.memory_space<hbm>>
        %dma_wait3A_394 = tpu.memref_squeeze %dma_wait3A_393 : memref<1x8x1024xf32, #tpu.memory_space<hbm>> -> memref<8x1024xf32, #tpu.memory_space<hbm>>
        %dma_wait3A_395 = arith.constant 0 : i32
        %dma_wait3A_396 = tpu.memref_slice %arg4[%dma_wait3A_391, %sub3A_390, %dma_wait3A_395] : memref<4x8192x1024xf32, #tpu.memory_space<hbm>> -> memref<1x8x1024xf32, #tpu.memory_space<hbm>>
        %dma_wait3A_397 = tpu.memref_squeeze %dma_wait3A_396 : memref<1x8x1024xf32, #tpu.memory_space<hbm>> -> memref<8x1024xf32, #tpu.memory_space<hbm>>
        tpu.wait_dma2 semaphore(%arg30 : memref<!tpu.dma_semaphore, #tpu.memory_space<semaphore_mem>>) src(%arg12 : memref<8x1024xf32, #tpu.memory_space<vmem>>) dst(%dma_wait3A_397 : memref<8x1024xf32, #tpu.memory_space<hbm>>)
        %add3A_398 = arith.constant 8 : i32
        %add3A_399 = arith.addi %add3A_117, %add3A_398 : i32
        %add3A_400 = arith.constant 248 : i32
        %add3A_401 = arith.addi %mul3A_2, %add3A_400 : i32
        %min3A_402 = arith.minsi %add3A_399, %add3A_401 : i32
        %dma_start3A_403 = arith.constant 1 : i32
        %dma_start3A_404 = arith.constant 0 : i32
        %dma_start3A_405 = tpu.memref_slice %arg2[%dma_start3A_403, %min3A_402, %dma_start3A_404] : memref<4x8192x1024xf32, #tpu.memory_space<hbm>> -> memref<1x8x1024xf32, #tpu.memory_space<hbm>>
        %dma_start3A_406 = tpu.memref_squeeze %dma_start3A_405 : memref<1x8x1024xf32, #tpu.memory_space<hbm>> -> memref<8x1024xf32, #tpu.memory_space<hbm>>
        %dma_start3A_407 = arith.constant 0 : i32
        %dma_start3A_408 = tpu.memref_slice %arg2[%dma_start3A_403, %min3A_402, %dma_start3A_407] : memref<4x8192x1024xf32, #tpu.memory_space<hbm>> -> memref<1x8x1024xf32, #tpu.memory_space<hbm>>
        %dma_start3A_409 = tpu.memref_squeeze %dma_start3A_408 : memref<1x8x1024xf32, #tpu.memory_space<hbm>> -> memref<8x1024xf32, #tpu.memory_space<hbm>>
        tpu.enqueue_dma source(%dma_start3A_409 : memref<8x1024xf32, #tpu.memory_space<hbm>>) target(%arg12 : memref<8x1024xf32, #tpu.memory_space<vmem>>) target_semaphore(%arg22 : memref<!tpu.dma_semaphore, #tpu.memory_space<semaphore_mem>>)
      } else {
      }
      %eq3A_160 = arith.constant 0 : i32
      %eq3A_161 = arith.cmpi eq, %add3A_114, %eq3A_160 : i32
      %convert_element_type3A_162 = arith.extui %eq3A_161 : i1 to i32
      %cond3A_163 = arith.constant 0 : i32
      %cond3A_164 = arith.cmpi ne, %convert_element_type3A_162, %cond3A_163 : i32
      scf.if %cond3A_164 {
        %add3A_390 = arith.constant 8 : i32
        %add3A_391 = arith.addi %add3A_117, %add3A_390 : i32
        %dma_start3A_392 = arith.constant 1 : i32
        %dma_start3A_393 = arith.constant 0 : i32
        %dma_start3A_394 = tpu.memref_slice %arg2[%dma_start3A_392, %add3A_391, %dma_start3A_393] : memref<4x8192x1024xf32, #tpu.memory_space<hbm>> -> memref<1x8x1024xf32, #tpu.memory_space<hbm>>
        %dma_start3A_395 = tpu.memref_squeeze %dma_start3A_394 : memref<1x8x1024xf32, #tpu.memory_space<hbm>> -> memref<8x1024xf32, #tpu.memory_space<hbm>>
        %dma_start3A_396 = arith.constant 0 : i32
        %dma_start3A_397 = tpu.memref_slice %arg2[%dma_start3A_392, %add3A_391, %dma_start3A_396] : memref<4x8192x1024xf32, #tpu.memory_space<hbm>> -> memref<1x8x1024xf32, #tpu.memory_space<hbm>>
        %dma_start3A_398 = tpu.memref_squeeze %dma_start3A_397 : memref<1x8x1024xf32, #tpu.memory_space<hbm>> -> memref<8x1024xf32, #tpu.memory_space<hbm>>
        tpu.enqueue_dma source(%dma_start3A_398 : memref<8x1024xf32, #tpu.memory_space<hbm>>) target(%arg12 : memref<8x1024xf32, #tpu.memory_space<vmem>>) target_semaphore(%arg22 : memref<!tpu.dma_semaphore, #tpu.memory_space<semaphore_mem>>)
      } else {
      }
      %scan3A_165 = arith.constant 0 : i32
      %scan3A_166 = arith.constant 0 : i32
      %scan3A_167 = arith.constant 8 : i32
      %scan3A_168 = arith.addi %scan3A_166, %scan3A_167 : i32
      %scan3A_169 = arith.constant 1 : i32
      scf.for %scan3A_390 = %scan3A_166 to %scan3A_168 step %scan3A_169  : i32 {
        %parallel_loop3A = arith.constant 0 : i32
        %parallel_loop3A_391 = arith.constant 64 : i32
        %parallel_loop3A_392 = arith.constant 1 : i32
        scf.for %parallel_loop3A_393 = %parallel_loop3A to %parallel_loop3A_391 step %parallel_loop3A_392  : i32 {
          %parallel_loop3A_394 = arith.constant 16 : i32
          %parallel_loop3A_395 = arith.muli %parallel_loop3A_393, %parallel_loop3A_394 : i32
          %parallel_loop3A_396 = arith.index_cast %scan3A_390 : i32 to index
          %parallel_loop3A_397 = arith.index_cast %parallel_loop3A_395 : i32 to index
          %parallel_loop3A_398 = tpu.vector_load %arg5[%parallel_loop3A_396, %parallel_loop3A_397] {strides = array<i32>} : memref<8x1024xf32, #tpu.memory_space<vmem>>, vector<1x16xf32>,
          %parallel_loop3A_399 = vector.shape_cast %parallel_loop3A_398 : vector<1x16xf32> to vector<16xf32>
          %parallel_loop3A_400 = arith.index_cast %scan3A_390 : i32 to index
          %parallel_loop3A_401 = arith.index_cast %parallel_loop3A_395 : i32 to index
          %parallel_loop3A_402 = tpu.vector_load %arg8[%parallel_loop3A_400, %parallel_loop3A_401] {strides = array<i32>} : memref<8x1024xf32, #tpu.memory_space<vmem>>, vector<1x16xf32>,
          %parallel_loop3A_403 = vector.shape_cast %parallel_loop3A_402 : vector<1x16xf32> to vector<16xf32>
          %parallel_loop3A_404 = vector.shape_cast %parallel_loop3A_399 : vector<16xf32> to vector<1x16xf32>
          tpu.vector_store %arg8[%parallel_loop3A_400, %parallel_loop3A_401], %parallel_loop3A_404 {add = true, strides = array<i32>} : memref<8x1024xf32, #tpu.memory_space<vmem>>, vector<1x16xf32>,
        } {sc.loop_unroll_factor = 8 : i64, sc.parallel_access}
      }
      %scan3A_170 = arith.constant 8 : i32
      %dma_start3A_171 = arith.constant 1 : i32
      %dma_start3A_172 = arith.constant 0 : i32
      %dma_start3A_173 = tpu.memref_slice %arg4[%dma_start3A_171, %add3A_117, %dma_start3A_172] : memref<4x8192x1024xf32, #tpu.memory_space<hbm>> -> memref<1x8x1024xf32, #tpu.memory_space<hbm>>
      %dma_start3A_174 = tpu.memref_squeeze %dma_start3A_173 : memref<1x8x1024xf32, #tpu.memory_space<hbm>> -> memref<8x1024xf32, #tpu.memory_space<hbm>>
      %dma_start3A_175 = arith.constant 0 : i32
      %dma_start3A_176 = tpu.memref_slice %arg4[%dma_start3A_171, %add3A_117, %dma_start3A_175] : memref<4x8192x1024xf32, #tpu.memory_space<hbm>> -> memref<1x8x1024xf32, #tpu.memory_space<hbm>>
      %dma_start3A_177 = tpu.memref_squeeze %dma_start3A_176 : memref<1x8x1024xf32, #tpu.memory_space<hbm>> -> memref<8x1024xf32, #tpu.memory_space<hbm>>
      tpu.enqueue_dma source(%arg8 : memref<8x1024xf32, #tpu.memory_space<vmem>>) target(%dma_start3A_177 : memref<8x1024xf32, #tpu.memory_space<hbm>>) target_semaphore(%arg26 : memref<!tpu.dma_semaphore, #tpu.memory_space<semaphore_mem>>)
      %dma_wait3A_178 = arith.constant 2 : i32
      %dma_wait3A_179 = arith.constant 0 : i32
      %dma_wait3A_180 = tpu.memref_slice %arg2[%dma_wait3A_178, %add3A_117, %dma_wait3A_179] : memref<4x8192x1024xf32, #tpu.memory_space<hbm>> -> memref<1x8x1024xf32, #tpu.memory_space<hbm>>
      %dma_wait3A_181 = tpu.memref_squeeze %dma_wait3A_180 : memref<1x8x1024xf32, #tpu.memory_space<hbm>> -> memref<8x1024xf32, #tpu.memory_space<hbm>>
      %dma_wait3A_182 = arith.constant 0 : i32
      %dma_wait3A_183 = tpu.memref_slice %arg2[%dma_wait3A_178, %add3A_117, %dma_wait3A_182] : memref<4x8192x1024xf32, #tpu.memory_space<hbm>> -> memref<1x8x1024xf32, #tpu.memory_space<hbm>>
      %dma_wait3A_184 = tpu.memref_squeeze %dma_wait3A_183 : memref<1x8x1024xf32, #tpu.memory_space<hbm>> -> memref<8x1024xf32, #tpu.memory_space<hbm>>
      tpu.wait_dma2 semaphore(%arg19 : memref<!tpu.dma_semaphore, #tpu.memory_space<semaphore_mem>>) src(%dma_wait3A_184 : memref<8x1024xf32, #tpu.memory_space<hbm>>) dst(%arg9 : memref<8x1024xf32, #tpu.memory_space<vmem>>)
      %gt3A_185 = arith.constant 0 : i32
      %gt3A_186 = arith.cmpi sgt, %add3A_114, %gt3A_185 : i32
      %convert_element_type3A_187 = arith.extui %gt3A_186 : i1 to i32
      %cond3A_188 = arith.constant 0 : i32
      %cond3A_189 = arith.cmpi ne, %convert_element_type3A_187, %cond3A_188 : i32
      scf.if %cond3A_189 {
        %sub3A = arith.constant 8 : i32
        %sub3A_390 = arith.subi %add3A_117, %sub3A : i32
        %dma_wait3A_391 = arith.constant 2 : i32
        %dma_wait3A_392 = arith.constant 0 : i32
        %dma_wait3A_393 = tpu.memref_slice %arg4[%dma_wait3A_391, %sub3A_390, %dma_wait3A_392] : memref<4x8192x1024xf32, #tpu.memory_space<hbm>> -> memref<1x8x1024xf32, #tpu.memory_space<hbm>>
        %dma_wait3A_394 = tpu.memref_squeeze %dma_wait3A_393 : memref<1x8x1024xf32, #tpu.memory_space<hbm>> -> memref<8x1024xf32, #tpu.memory_space<hbm>>
        %dma_wait3A_395 = arith.constant 0 : i32
        %dma_wait3A_396 = tpu.memref_slice %arg4[%dma_wait3A_391, %sub3A_390, %dma_wait3A_395] : memref<4x8192x1024xf32, #tpu.memory_space<hbm>> -> memref<1x8x1024xf32, #tpu.memory_space<hbm>>
        %dma_wait3A_397 = tpu.memref_squeeze %dma_wait3A_396 : memref<1x8x1024xf32, #tpu.memory_space<hbm>> -> memref<8x1024xf32, #tpu.memory_space<hbm>>
        tpu.wait_dma2 semaphore(%arg31 : memref<!tpu.dma_semaphore, #tpu.memory_space<semaphore_mem>>) src(%arg13 : memref<8x1024xf32, #tpu.memory_space<vmem>>) dst(%dma_wait3A_397 : memref<8x1024xf32, #tpu.memory_space<hbm>>)
        %add3A_398 = arith.constant 8 : i32
        %add3A_399 = arith.addi %add3A_117, %add3A_398 : i32
        %add3A_400 = arith.constant 248 : i32
        %add3A_401 = arith.addi %mul3A_2, %add3A_400 : i32
        %min3A_402 = arith.minsi %add3A_399, %add3A_401 : i32
        %dma_start3A_403 = arith.constant 2 : i32
        %dma_start3A_404 = arith.constant 0 : i32
        %dma_start3A_405 = tpu.memref_slice %arg2[%dma_start3A_403, %min3A_402, %dma_start3A_404] : memref<4x8192x1024xf32, #tpu.memory_space<hbm>> -> memref<1x8x1024xf32, #tpu.memory_space<hbm>>
        %dma_start3A_406 = tpu.memref_squeeze %dma_start3A_405 : memref<1x8x1024xf32, #tpu.memory_space<hbm>> -> memref<8x1024xf32, #tpu.memory_space<hbm>>
        %dma_start3A_407 = arith.constant 0 : i32
        %dma_start3A_408 = tpu.memref_slice %arg2[%dma_start3A_403, %min3A_402, %dma_start3A_407] : memref<4x8192x1024xf32, #tpu.memory_space<hbm>> -> memref<1x8x1024xf32, #tpu.memory_space<hbm>>
        %dma_start3A_409 = tpu.memref_squeeze %dma_start3A_408 : memref<1x8x1024xf32, #tpu.memory_space<hbm>> -> memref<8x1024xf32, #tpu.memory_space<hbm>>
        tpu.enqueue_dma source(%dma_start3A_409 : memref<8x1024xf32, #tpu.memory_space<hbm>>) target(%arg13 : memref<8x1024xf32, #tpu.memory_space<vmem>>) target_semaphore(%arg23 : memref<!tpu.dma_semaphore, #tpu.memory_space<semaphore_mem>>)
      } else {
      }
      %eq3A_190 = arith.constant 0 : i32
      %eq3A_191 = arith.cmpi eq, %add3A_114, %eq3A_190 : i32
      %convert_element_type3A_192 = arith.extui %eq3A_191 : i1 to i32
      %cond3A_193 = arith.constant 0 : i32
      %cond3A_194 = arith.cmpi ne, %convert_element_type3A_192, %cond3A_193 : i32
      scf.if %cond3A_194 {
        %add3A_390 = arith.constant 8 : i32
        %add3A_391 = arith.addi %add3A_117, %add3A_390 : i32
        %dma_start3A_392 = arith.constant 2 : i32
        %dma_start3A_393 = arith.constant 0 : i32
        %dma_start3A_394 = tpu.memref_slice %arg2[%dma_start3A_392, %add3A_391, %dma_start3A_393] : memref<4x8192x1024xf32, #tpu.memory_space<hbm>> -> memref<1x8x1024xf32, #tpu.memory_space<hbm>>
        %dma_start3A_395 = tpu.memref_squeeze %dma_start3A_394 : memref<1x8x1024xf32, #tpu.memory_space<hbm>> -> memref<8x1024xf32, #tpu.memory_space<hbm>>
        %dma_start3A_396 = arith.constant 0 : i32
        %dma_start3A_397 = tpu.memref_slice %arg2[%dma_start3A_392, %add3A_391, %dma_start3A_396] : memref<4x8192x1024xf32, #tpu.memory_space<hbm>> -> memref<1x8x1024xf32, #tpu.memory_space<hbm>>
        %dma_start3A_398 = tpu.memref_squeeze %dma_start3A_397 : memref<1x8x1024xf32, #tpu.memory_space<hbm>> -> memref<8x1024xf32, #tpu.memory_space<hbm>>
        tpu.enqueue_dma source(%dma_start3A_398 : memref<8x1024xf32, #tpu.memory_space<hbm>>) target(%arg13 : memref<8x1024xf32, #tpu.memory_space<vmem>>) target_semaphore(%arg23 : memref<!tpu.dma_semaphore, #tpu.memory_space<semaphore_mem>>)
      } else {
      }
      %scan3A_195 = arith.constant 0 : i32
      %scan3A_196 = arith.constant 0 : i32
      %scan3A_197 = arith.constant 8 : i32
      %scan3A_198 = arith.addi %scan3A_196, %scan3A_197 : i32
      %scan3A_199 = arith.constant 1 : i32
      scf.for %scan3A_390 = %scan3A_196 to %scan3A_198 step %scan3A_199  : i32 {
        %parallel_loop3A = arith.constant 0 : i32
        %parallel_loop3A_391 = arith.constant 64 : i32
        %parallel_loop3A_392 = arith.constant 1 : i32
        scf.for %parallel_loop3A_393 = %parallel_loop3A to %parallel_loop3A_391 step %parallel_loop3A_392  : i32 {
          %parallel_loop3A_394 = arith.constant 16 : i32
          %parallel_loop3A_395 = arith.muli %parallel_loop3A_393, %parallel_loop3A_394 : i32
          %parallel_loop3A_396 = arith.index_cast %scan3A_390 : i32 to index
          %parallel_loop3A_397 = arith.index_cast %parallel_loop3A_395 : i32 to index
          %parallel_loop3A_398 = tpu.vector_load %arg5[%parallel_loop3A_396, %parallel_loop3A_397] {strides = array<i32>} : memref<8x1024xf32, #tpu.memory_space<vmem>>, vector<1x16xf32>,
          %parallel_loop3A_399 = vector.shape_cast %parallel_loop3A_398 : vector<1x16xf32> to vector<16xf32>
          %parallel_loop3A_400 = arith.index_cast %scan3A_390 : i32 to index
          %parallel_loop3A_401 = arith.index_cast %parallel_loop3A_395 : i32 to index
          %parallel_loop3A_402 = tpu.vector_load %arg9[%parallel_loop3A_400, %parallel_loop3A_401] {strides = array<i32>} : memref<8x1024xf32, #tpu.memory_space<vmem>>, vector<1x16xf32>,
          %parallel_loop3A_403 = vector.shape_cast %parallel_loop3A_402 : vector<1x16xf32> to vector<16xf32>
          %parallel_loop3A_404 = vector.shape_cast %parallel_loop3A_399 : vector<16xf32> to vector<1x16xf32>
          tpu.vector_store %arg9[%parallel_loop3A_400, %parallel_loop3A_401], %parallel_loop3A_404 {add = true, strides = array<i32>} : memref<8x1024xf32, #tpu.memory_space<vmem>>, vector<1x16xf32>,
        } {sc.loop_unroll_factor = 8 : i64, sc.parallel_access}
      }
      %scan3A_200 = arith.constant 8 : i32
      %dma_start3A_201 = arith.constant 2 : i32
      %dma_start3A_202 = arith.constant 0 : i32
      %dma_start3A_203 = tpu.memref_slice %arg4[%dma_start3A_201, %add3A_117, %dma_start3A_202] : memref<4x8192x1024xf32, #tpu.memory_space<hbm>> -> memref<1x8x1024xf32, #tpu.memory_space<hbm>>
      %dma_start3A_204 = tpu.memref_squeeze %dma_start3A_203 : memref<1x8x1024xf32, #tpu.memory_space<hbm>> -> memref<8x1024xf32, #tpu.memory_space<hbm>>
      %dma_start3A_205 = arith.constant 0 : i32
      %dma_start3A_206 = tpu.memref_slice %arg4[%dma_start3A_201, %add3A_117, %dma_start3A_205] : memref<4x8192x1024xf32, #tpu.memory_space<hbm>> -> memref<1x8x1024xf32, #tpu.memory_space<hbm>>
      %dma_start3A_207 = tpu.memref_squeeze %dma_start3A_206 : memref<1x8x1024xf32, #tpu.memory_space<hbm>> -> memref<8x1024xf32, #tpu.memory_space<hbm>>
      tpu.enqueue_dma source(%arg9 : memref<8x1024xf32, #tpu.memory_space<vmem>>) target(%dma_start3A_207 : memref<8x1024xf32, #tpu.memory_space<hbm>>) target_semaphore(%arg27 : memref<!tpu.dma_semaphore, #tpu.memory_space<semaphore_mem>>)
      %dma_wait3A_208 = arith.constant 3 : i32
      %dma_wait3A_209 = arith.constant 0 : i32
      %dma_wait3A_210 = tpu.memref_slice %arg2[%dma_wait3A_208, %add3A_117, %dma_wait3A_209] : memref<4x8192x1024xf32, #tpu.memory_space<hbm>> -> memref<1x8x1024xf32, #tpu.memory_space<hbm>>
      %dma_wait3A_211 = tpu.memref_squeeze %dma_wait3A_210 : memref<1x8x1024xf32, #tpu.memory_space<hbm>> -> memref<8x1024xf32, #tpu.memory_space<hbm>>
      %dma_wait3A_212 = arith.constant 0 : i32
      %dma_wait3A_213 = tpu.memref_slice %arg2[%dma_wait3A_208, %add3A_117, %dma_wait3A_212] : memref<4x8192x1024xf32, #tpu.memory_space<hbm>> -> memref<1x8x1024xf32, #tpu.memory_space<hbm>>
      %dma_wait3A_214 = tpu.memref_squeeze %dma_wait3A_213 : memref<1x8x1024xf32, #tpu.memory_space<hbm>> -> memref<8x1024xf32, #tpu.memory_space<hbm>>
      tpu.wait_dma2 semaphore(%arg20 : memref<!tpu.dma_semaphore, #tpu.memory_space<semaphore_mem>>) src(%dma_wait3A_214 : memref<8x1024xf32, #tpu.memory_space<hbm>>) dst(%arg10 : memref<8x1024xf32, #tpu.memory_space<vmem>>)
      %gt3A_215 = arith.constant 0 : i32
      %gt3A_216 = arith.cmpi sgt, %add3A_114, %gt3A_215 : i32
      %convert_element_type3A_217 = arith.extui %gt3A_216 : i1 to i32
      %cond3A_218 = arith.constant 0 : i32
      %cond3A_219 = arith.cmpi ne, %convert_element_type3A_217, %cond3A_218 : i32
      scf.if %cond3A_219 {
        %sub3A = arith.constant 8 : i32
        %sub3A_390 = arith.subi %add3A_117, %sub3A : i32
        %dma_wait3A_391 = arith.constant 3 : i32
        %dma_wait3A_392 = arith.constant 0 : i32
        %dma_wait3A_393 = tpu.memref_slice %arg4[%dma_wait3A_391, %sub3A_390, %dma_wait3A_392] : memref<4x8192x1024xf32, #tpu.memory_space<hbm>> -> memref<1x8x1024xf32, #tpu.memory_space<hbm>>
        %dma_wait3A_394 = tpu.memref_squeeze %dma_wait3A_393 : memref<1x8x1024xf32, #tpu.memory_space<hbm>> -> memref<8x1024xf32, #tpu.memory_space<hbm>>
        %dma_wait3A_395 = arith.constant 0 : i32
        %dma_wait3A_396 = tpu.memref_slice %arg4[%dma_wait3A_391, %sub3A_390, %dma_wait3A_395] : memref<4x8192x1024xf32, #tpu.memory_space<hbm>> -> memref<1x8x1024xf32, #tpu.memory_space<hbm>>
        %dma_wait3A_397 = tpu.memref_squeeze %dma_wait3A_396 : memref<1x8x1024xf32, #tpu.memory_space<hbm>> -> memref<8x1024xf32, #tpu.memory_space<hbm>>
        tpu.wait_dma2 semaphore(%arg32 : memref<!tpu.dma_semaphore, #tpu.memory_space<semaphore_mem>>) src(%arg14 : memref<8x1024xf32, #tpu.memory_space<vmem>>) dst(%dma_wait3A_397 : memref<8x1024xf32, #tpu.memory_space<hbm>>)
        %add3A_398 = arith.constant 8 : i32
        %add3A_399 = arith.addi %add3A_117, %add3A_398 : i32
        %add3A_400 = arith.constant 248 : i32
        %add3A_401 = arith.addi %mul3A_2, %add3A_400 : i32
        %min3A_402 = arith.minsi %add3A_399, %add3A_401 : i32
        %dma_start3A_403 = arith.constant 3 : i32
        %dma_start3A_404 = arith.constant 0 : i32
        %dma_start3A_405 = tpu.memref_slice %arg2[%dma_start3A_403, %min3A_402, %dma_start3A_404] : memref<4x8192x1024xf32, #tpu.memory_space<hbm>> -> memref<1x8x1024xf32, #tpu.memory_space<hbm>>
        %dma_start3A_406 = tpu.memref_squeeze %dma_start3A_405 : memref<1x8x1024xf32, #tpu.memory_space<hbm>> -> memref<8x1024xf32, #tpu.memory_space<hbm>>
        %dma_start3A_407 = arith.constant 0 : i32
        %dma_start3A_408 = tpu.memref_slice %arg2[%dma_start3A_403, %min3A_402, %dma_start3A_407] : memref<4x8192x1024xf32, #tpu.memory_space<hbm>> -> memref<1x8x1024xf32, #tpu.memory_space<hbm>>
        %dma_start3A_409 = tpu.memref_squeeze %dma_start3A_408 : memref<1x8x1024xf32, #tpu.memory_space<hbm>> -> memref<8x1024xf32, #tpu.memory_space<hbm>>
        tpu.enqueue_dma source(%dma_start3A_409 : memref<8x1024xf32, #tpu.memory_space<hbm>>) target(%arg14 : memref<8x1024xf32, #tpu.memory_space<vmem>>) target_semaphore(%arg24 : memref<!tpu.dma_semaphore, #tpu.memory_space<semaphore_mem>>)
      } else {
      }
      %eq3A_220 = arith.constant 0 : i32
      %eq3A_221 = arith.cmpi eq, %add3A_114, %eq3A_220 : i32
      %convert_element_type3A_222 = arith.extui %eq3A_221 : i1 to i32
      %cond3A_223 = arith.constant 0 : i32
      %cond3A_224 = arith.cmpi ne, %convert_element_type3A_222, %cond3A_223 : i32
      scf.if %cond3A_224 {
        %add3A_390 = arith.constant 8 : i32
        %add3A_391 = arith.addi %add3A_117, %add3A_390 : i32
        %dma_start3A_392 = arith.constant 3 : i32
        %dma_start3A_393 = arith.constant 0 : i32
        %dma_start3A_394 = tpu.memref_slice %arg2[%dma_start3A_392, %add3A_391, %dma_start3A_393] : memref<4x8192x1024xf32, #tpu.memory_space<hbm>> -> memref<1x8x1024xf32, #tpu.memory_space<hbm>>
        %dma_start3A_395 = tpu.memref_squeeze %dma_start3A_394 : memref<1x8x1024xf32, #tpu.memory_space<hbm>> -> memref<8x1024xf32, #tpu.memory_space<hbm>>
        %dma_start3A_396 = arith.constant 0 : i32
        %dma_start3A_397 = tpu.memref_slice %arg2[%dma_start3A_392, %add3A_391, %dma_start3A_396] : memref<4x8192x1024xf32, #tpu.memory_space<hbm>> -> memref<1x8x1024xf32, #tpu.memory_space<hbm>>
        %dma_start3A_398 = tpu.memref_squeeze %dma_start3A_397 : memref<1x8x1024xf32, #tpu.memory_space<hbm>> -> memref<8x1024xf32, #tpu.memory_space<hbm>>
        tpu.enqueue_dma source(%dma_start3A_398 : memref<8x1024xf32, #tpu.memory_space<hbm>>) target(%arg14 : memref<8x1024xf32, #tpu.memory_space<vmem>>) target_semaphore(%arg24 : memref<!tpu.dma_semaphore, #tpu.memory_space<semaphore_mem>>)
      } else {
      }
      %scan3A_225 = arith.constant 0 : i32
      %scan3A_226 = arith.constant 0 : i32
      %scan3A_227 = arith.constant 8 : i32
      %scan3A_228 = arith.addi %scan3A_226, %scan3A_227 : i32
      %scan3A_229 = arith.constant 1 : i32
      scf.for %scan3A_390 = %scan3A_226 to %scan3A_228 step %scan3A_229  : i32 {
        %parallel_loop3A = arith.constant 0 : i32
        %parallel_loop3A_391 = arith.constant 64 : i32
        %parallel_loop3A_392 = arith.constant 1 : i32
        scf.for %parallel_loop3A_393 = %parallel_loop3A to %parallel_loop3A_391 step %parallel_loop3A_392  : i32 {
          %parallel_loop3A_394 = arith.constant 16 : i32
          %parallel_loop3A_395 = arith.muli %parallel_loop3A_393, %parallel_loop3A_394 : i32
          %parallel_loop3A_396 = arith.index_cast %scan3A_390 : i32 to index
          %parallel_loop3A_397 = arith.index_cast %parallel_loop3A_395 : i32 to index
          %parallel_loop3A_398 = tpu.vector_load %arg5[%parallel_loop3A_396, %parallel_loop3A_397] {strides = array<i32>} : memref<8x1024xf32, #tpu.memory_space<vmem>>, vector<1x16xf32>,
          %parallel_loop3A_399 = vector.shape_cast %parallel_loop3A_398 : vector<1x16xf32> to vector<16xf32>
          %parallel_loop3A_400 = arith.index_cast %scan3A_390 : i32 to index
          %parallel_loop3A_401 = arith.index_cast %parallel_loop3A_395 : i32 to index
          %parallel_loop3A_402 = tpu.vector_load %arg10[%parallel_loop3A_400, %parallel_loop3A_401] {strides = array<i32>} : memref<8x1024xf32, #tpu.memory_space<vmem>>, vector<1x16xf32>,
          %parallel_loop3A_403 = vector.shape_cast %parallel_loop3A_402 : vector<1x16xf32> to vector<16xf32>
          %parallel_loop3A_404 = vector.shape_cast %parallel_loop3A_399 : vector<16xf32> to vector<1x16xf32>
          tpu.vector_store %arg10[%parallel_loop3A_400, %parallel_loop3A_401], %parallel_loop3A_404 {add = true, strides = array<i32>} : memref<8x1024xf32, #tpu.memory_space<vmem>>, vector<1x16xf32>,
        } {sc.loop_unroll_factor = 8 : i64, sc.parallel_access}
      }
      %scan3A_230 = arith.constant 8 : i32
      %dma_start3A_231 = arith.constant 3 : i32
      %dma_start3A_232 = arith.constant 0 : i32
      %dma_start3A_233 = tpu.memref_slice %arg4[%dma_start3A_231, %add3A_117, %dma_start3A_232] : memref<4x8192x1024xf32, #tpu.memory_space<hbm>> -> memref<1x8x1024xf32, #tpu.memory_space<hbm>>
      %dma_start3A_234 = tpu.memref_squeeze %dma_start3A_233 : memref<1x8x1024xf32, #tpu.memory_space<hbm>> -> memref<8x1024xf32, #tpu.memory_space<hbm>>
      %dma_start3A_235 = arith.constant 0 : i32
      %dma_start3A_236 = tpu.memref_slice %arg4[%dma_start3A_231, %add3A_117, %dma_start3A_235] : memref<4x8192x1024xf32, #tpu.memory_space<hbm>> -> memref<1x8x1024xf32, #tpu.memory_space<hbm>>
      %dma_start3A_237 = tpu.memref_squeeze %dma_start3A_236 : memref<1x8x1024xf32, #tpu.memory_space<hbm>> -> memref<8x1024xf32, #tpu.memory_space<hbm>>
      tpu.enqueue_dma source(%arg10 : memref<8x1024xf32, #tpu.memory_space<vmem>>) target(%dma_start3A_237 : memref<8x1024xf32, #tpu.memory_space<hbm>>) target_semaphore(%arg28 : memref<!tpu.dma_semaphore, #tpu.memory_space<semaphore_mem>>)
      %add3A_238 = arith.constant 2 : i32
      %add3A_239 = arith.addi %add3A_114, %add3A_238 : i32
      %min3A = arith.constant 31 : i32
      %min3A_240 = arith.minsi %add3A_239, %min3A : i32
      %mul3A_241 = arith.constant 8 : i32
      %mul3A_242 = arith.muli %min3A_240, %mul3A_241 : i32
      %add3A_243 = arith.addi %mul3A_2, %mul3A_242 : i32
      %dma_start3A_244 = arith.constant 0 : i32
      %dma_start3A_245 = tpu.memref_slice %arg3[%add3A_243, %dma_start3A_244] : memref<8192x1024xf32, #tpu.memory_space<hbm>> -> memref<8x1024xf32, #tpu.memory_space<hbm>>
      %dma_start3A_246 = arith.constant 0 : i32
      %dma_start3A_247 = tpu.memref_slice %arg3[%add3A_243, %dma_start3A_246] : memref<8192x1024xf32, #tpu.memory_space<hbm>> -> memref<8x1024xf32, #tpu.memory_space<hbm>>
      tpu.enqueue_dma source(%dma_start3A_247 : memref<8x1024xf32, #tpu.memory_space<hbm>>) target(%arg5 : memref<8x1024xf32, #tpu.memory_space<vmem>>) target_semaphore(%arg15 : memref<!tpu.dma_semaphore, #tpu.memory_space<semaphore_mem>>)
      %mul3A_248 = arith.constant 2 : i32
      %mul3A_249 = arith.muli %mul3A_248, %scan3A_110 : i32
      %add3A_250 = arith.constant 1 : i32
      %add3A_251 = arith.addi %mul3A_249, %add3A_250 : i32
      %mul3A_252 = arith.constant 8 : i32
      %mul3A_253 = arith.muli %add3A_251, %mul3A_252 : i32
      %add3A_254 = arith.addi %mul3A_2, %mul3A_253 : i32
      %dma_wait3A_255 = arith.constant 0 : i32
      %dma_wait3A_256 = tpu.memref_slice %arg3[%add3A_254, %dma_wait3A_255] : memref<8192x1024xf32, #tpu.memory_space<hbm>> -> memref<8x1024xf32, #tpu.memory_space<hbm>>
      %dma_wait3A_257 = arith.constant 0 : i32
      %dma_wait3A_258 = tpu.memref_slice %arg3[%add3A_254, %dma_wait3A_257] : memref<8192x1024xf32, #tpu.memory_space<hbm>> -> memref<8x1024xf32, #tpu.memory_space<hbm>>
      tpu.wait_dma2 semaphore(%arg16 : memref<!tpu.dma_semaphore, #tpu.memory_space<semaphore_mem>>) src(%dma_wait3A_258 : memref<8x1024xf32, #tpu.memory_space<hbm>>) dst(%arg6 : memref<8x1024xf32, #tpu.memory_space<vmem>>)
      %dma_wait3A_259 = arith.constant 0 : i32
      %dma_wait3A_260 = arith.constant 0 : i32
      %dma_wait3A_261 = tpu.memref_slice %arg2[%dma_wait3A_259, %add3A_254, %dma_wait3A_260] : memref<4x8192x1024xf32, #tpu.memory_space<hbm>> -> memref<1x8x1024xf32, #tpu.memory_space<hbm>>
      %dma_wait3A_262 = tpu.memref_squeeze %dma_wait3A_261 : memref<1x8x1024xf32, #tpu.memory_space<hbm>> -> memref<8x1024xf32, #tpu.memory_space<hbm>>
      %dma_wait3A_263 = arith.constant 0 : i32
      %dma_wait3A_264 = tpu.memref_slice %arg2[%dma_wait3A_259, %add3A_254, %dma_wait3A_263] : memref<4x8192x1024xf32, #tpu.memory_space<hbm>> -> memref<1x8x1024xf32, #tpu.memory_space<hbm>>
      %dma_wait3A_265 = tpu.memref_squeeze %dma_wait3A_264 : memref<1x8x1024xf32, #tpu.memory_space<hbm>> -> memref<8x1024xf32, #tpu.memory_space<hbm>>
      tpu.wait_dma2 semaphore(%arg21 : memref<!tpu.dma_semaphore, #tpu.memory_space<semaphore_mem>>) src(%dma_wait3A_265 : memref<8x1024xf32, #tpu.memory_space<hbm>>) dst(%arg11 : memref<8x1024xf32, #tpu.memory_space<vmem>>)
      %gt3A_266 = arith.constant 0 : i32
      %gt3A_267 = arith.cmpi sgt, %add3A_251, %gt3A_266 : i32
      %convert_element_type3A_268 = arith.extui %gt3A_267 : i1 to i32
      %cond3A_269 = arith.constant 0 : i32
      %cond3A_270 = arith.cmpi ne, %convert_element_type3A_268, %cond3A_269 : i32
      scf.if %cond3A_270 {
        %sub3A = arith.constant 8 : i32
        %sub3A_390 = arith.subi %add3A_254, %sub3A : i32
        %dma_wait3A_391 = arith.constant 0 : i32
        %dma_wait3A_392 = arith.constant 0 : i32
        %dma_wait3A_393 = tpu.memref_slice %arg4[%dma_wait3A_391, %sub3A_390, %dma_wait3A_392] : memref<4x8192x1024xf32, #tpu.memory_space<hbm>> -> memref<1x8x1024xf32, #tpu.memory_space<hbm>>
        %dma_wait3A_394 = tpu.memref_squeeze %dma_wait3A_393 : memref<1x8x1024xf32, #tpu.memory_space<hbm>> -> memref<8x1024xf32, #tpu.memory_space<hbm>>
        %dma_wait3A_395 = arith.constant 0 : i32
        %dma_wait3A_396 = tpu.memref_slice %arg4[%dma_wait3A_391, %sub3A_390, %dma_wait3A_395] : memref<4x8192x1024xf32, #tpu.memory_space<hbm>> -> memref<1x8x1024xf32, #tpu.memory_space<hbm>>
        %dma_wait3A_397 = tpu.memref_squeeze %dma_wait3A_396 : memref<1x8x1024xf32, #tpu.memory_space<hbm>> -> memref<8x1024xf32, #tpu.memory_space<hbm>>
        tpu.wait_dma2 semaphore(%arg25 : memref<!tpu.dma_semaphore, #tpu.memory_space<semaphore_mem>>) src(%arg7 : memref<8x1024xf32, #tpu.memory_space<vmem>>) dst(%dma_wait3A_397 : memref<8x1024xf32, #tpu.memory_space<hbm>>)
        %add3A_398 = arith.constant 8 : i32
        %add3A_399 = arith.addi %add3A_254, %add3A_398 : i32
        %add3A_400 = arith.constant 248 : i32
        %add3A_401 = arith.addi %mul3A_2, %add3A_400 : i32
        %min3A_402 = arith.minsi %add3A_399, %add3A_401 : i32
        %dma_start3A_403 = arith.constant 0 : i32
        %dma_start3A_404 = arith.constant 0 : i32
        %dma_start3A_405 = tpu.memref_slice %arg2[%dma_start3A_403, %min3A_402, %dma_start3A_404] : memref<4x8192x1024xf32, #tpu.memory_space<hbm>> -> memref<1x8x1024xf32, #tpu.memory_space<hbm>>
        %dma_start3A_406 = tpu.memref_squeeze %dma_start3A_405 : memref<1x8x1024xf32, #tpu.memory_space<hbm>> -> memref<8x1024xf32, #tpu.memory_space<hbm>>
        %dma_start3A_407 = arith.constant 0 : i32
        %dma_start3A_408 = tpu.memref_slice %arg2[%dma_start3A_403, %min3A_402, %dma_start3A_407] : memref<4x8192x1024xf32, #tpu.memory_space<hbm>> -> memref<1x8x1024xf32, #tpu.memory_space<hbm>>
        %dma_start3A_409 = tpu.memref_squeeze %dma_start3A_408 : memref<1x8x1024xf32, #tpu.memory_space<hbm>> -> memref<8x1024xf32, #tpu.memory_space<hbm>>
        tpu.enqueue_dma source(%dma_start3A_409 : memref<8x1024xf32, #tpu.memory_space<hbm>>) target(%arg7 : memref<8x1024xf32, #tpu.memory_space<vmem>>) target_semaphore(%arg17 : memref<!tpu.dma_semaphore, #tpu.memory_space<semaphore_mem>>)
      } else {
      }
      %eq3A_271 = arith.constant 0 : i32
      %eq3A_272 = arith.cmpi eq, %add3A_251, %eq3A_271 : i32
      %convert_element_type3A_273 = arith.extui %eq3A_272 : i1 to i32
      %cond3A_274 = arith.constant 0 : i32
      %cond3A_275 = arith.cmpi ne, %convert_element_type3A_273, %cond3A_274 : i32
      scf.if %cond3A_275 {
        %add3A_390 = arith.constant 8 : i32
        %add3A_391 = arith.addi %add3A_254, %add3A_390 : i32
        %dma_start3A_392 = arith.constant 0 : i32
        %dma_start3A_393 = arith.constant 0 : i32
        %dma_start3A_394 = tpu.memref_slice %arg2[%dma_start3A_392, %add3A_391, %dma_start3A_393] : memref<4x8192x1024xf32, #tpu.memory_space<hbm>> -> memref<1x8x1024xf32, #tpu.memory_space<hbm>>
        %dma_start3A_395 = tpu.memref_squeeze %dma_start3A_394 : memref<1x8x1024xf32, #tpu.memory_space<hbm>> -> memref<8x1024xf32, #tpu.memory_space<hbm>>
        %dma_start3A_396 = arith.constant 0 : i32
        %dma_start3A_397 = tpu.memref_slice %arg2[%dma_start3A_392, %add3A_391, %dma_start3A_396] : memref<4x8192x1024xf32, #tpu.memory_space<hbm>> -> memref<1x8x1024xf32, #tpu.memory_space<hbm>>
        %dma_start3A_398 = tpu.memref_squeeze %dma_start3A_397 : memref<1x8x1024xf32, #tpu.memory_space<hbm>> -> memref<8x1024xf32, #tpu.memory_space<hbm>>
        tpu.enqueue_dma source(%dma_start3A_398 : memref<8x1024xf32, #tpu.memory_space<hbm>>) target(%arg7 : memref<8x1024xf32, #tpu.memory_space<vmem>>) target_semaphore(%arg17 : memref<!tpu.dma_semaphore, #tpu.memory_space<semaphore_mem>>)
      } else {
      }
      %scan3A_276 = arith.constant 0 : i32
      %scan3A_277 = arith.constant 0 : i32
      %scan3A_278 = arith.constant 8 : i32
      %scan3A_279 = arith.addi %scan3A_277, %scan3A_278 : i32
      %scan3A_280 = arith.constant 1 : i32
      scf.for %scan3A_390 = %scan3A_277 to %scan3A_279 step %scan3A_280  : i32 {
        %parallel_loop3A = arith.constant 0 : i32
        %parallel_loop3A_391 = arith.constant 64 : i32
        %parallel_loop3A_392 = arith.constant 1 : i32
        scf.for %parallel_loop3A_393 = %parallel_loop3A to %parallel_loop3A_391 step %parallel_loop3A_392  : i32 {
          %parallel_loop3A_394 = arith.constant 16 : i32
          %parallel_loop3A_395 = arith.muli %parallel_loop3A_393, %parallel_loop3A_394 : i32
          %parallel_loop3A_396 = arith.index_cast %scan3A_390 : i32 to index
          %parallel_loop3A_397 = arith.index_cast %parallel_loop3A_395 : i32 to index
          %parallel_loop3A_398 = tpu.vector_load %arg6[%parallel_loop3A_396, %parallel_loop3A_397] {strides = array<i32>} : memref<8x1024xf32, #tpu.memory_space<vmem>>, vector<1x16xf32>,
          %parallel_loop3A_399 = vector.shape_cast %parallel_loop3A_398 : vector<1x16xf32> to vector<16xf32>
          %parallel_loop3A_400 = arith.index_cast %scan3A_390 : i32 to index
          %parallel_loop3A_401 = arith.index_cast %parallel_loop3A_395 : i32 to index
          %parallel_loop3A_402 = tpu.vector_load %arg11[%parallel_loop3A_400, %parallel_loop3A_401] {strides = array<i32>} : memref<8x1024xf32, #tpu.memory_space<vmem>>, vector<1x16xf32>,
          %parallel_loop3A_403 = vector.shape_cast %parallel_loop3A_402 : vector<1x16xf32> to vector<16xf32>
          %parallel_loop3A_404 = vector.shape_cast %parallel_loop3A_399 : vector<16xf32> to vector<1x16xf32>
          tpu.vector_store %arg11[%parallel_loop3A_400, %parallel_loop3A_401], %parallel_loop3A_404 {add = true, strides = array<i32>} : memref<8x1024xf32, #tpu.memory_space<vmem>>, vector<1x16xf32>,
        } {sc.loop_unroll_factor = 8 : i64, sc.parallel_access}
      }
      %scan3A_281 = arith.constant 8 : i32
      %dma_start3A_282 = arith.constant 0 : i32
      %dma_start3A_283 = arith.constant 0 : i32
      %dma_start3A_284 = tpu.memref_slice %arg4[%dma_start3A_282, %add3A_254, %dma_start3A_283] : memref<4x8192x1024xf32, #tpu.memory_space<hbm>> -> memref<1x8x1024xf32, #tpu.memory_space<hbm>>
      %dma_start3A_285 = tpu.memref_squeeze %dma_start3A_284 : memref<1x8x1024xf32, #tpu.memory_space<hbm>> -> memref<8x1024xf32, #tpu.memory_space<hbm>>
      %dma_start3A_286 = arith.constant 0 : i32
      %dma_start3A_287 = tpu.memref_slice %arg4[%dma_start3A_282, %add3A_254, %dma_start3A_286] : memref<4x8192x1024xf32, #tpu.memory_space<hbm>> -> memref<1x8x1024xf32, #tpu.memory_space<hbm>>
      %dma_start3A_288 = tpu.memref_squeeze %dma_start3A_287 : memref<1x8x1024xf32, #tpu.memory_space<hbm>> -> memref<8x1024xf32, #tpu.memory_space<hbm>>
      tpu.enqueue_dma source(%arg11 : memref<8x1024xf32, #tpu.memory_space<vmem>>) target(%dma_start3A_288 : memref<8x1024xf32, #tpu.memory_space<hbm>>) target_semaphore(%arg29 : memref<!tpu.dma_semaphore, #tpu.memory_space<semaphore_mem>>)
      %dma_wait3A_289 = arith.constant 1 : i32
      %dma_wait3A_290 = arith.constant 0 : i32
      %dma_wait3A_291 = tpu.memref_slice %arg2[%dma_wait3A_289, %add3A_254, %dma_wait3A_290] : memref<4x8192x1024xf32, #tpu.memory_space<hbm>> -> memref<1x8x1024xf32, #tpu.memory_space<hbm>>
      %dma_wait3A_292 = tpu.memref_squeeze %dma_wait3A_291 : memref<1x8x1024xf32, #tpu.memory_space<hbm>> -> memref<8x1024xf32, #tpu.memory_space<hbm>>
      %dma_wait3A_293 = arith.constant 0 : i32
      %dma_wait3A_294 = tpu.memref_slice %arg2[%dma_wait3A_289, %add3A_254, %dma_wait3A_293] : memref<4x8192x1024xf32, #tpu.memory_space<hbm>> -> memref<1x8x1024xf32, #tpu.memory_space<hbm>>
      %dma_wait3A_295 = tpu.memref_squeeze %dma_wait3A_294 : memref<1x8x1024xf32, #tpu.memory_space<hbm>> -> memref<8x1024xf32, #tpu.memory_space<hbm>>
      tpu.wait_dma2 semaphore(%arg22 : memref<!tpu.dma_semaphore, #tpu.memory_space<semaphore_mem>>) src(%dma_wait3A_295 : memref<8x1024xf32, #tpu.memory_space<hbm>>) dst(%arg12 : memref<8x1024xf32, #tpu.memory_space<vmem>>)
      %gt3A_296 = arith.constant 0 : i32
      %gt3A_297 = arith.cmpi sgt, %add3A_251, %gt3A_296 : i32
      %convert_element_type3A_298 = arith.extui %gt3A_297 : i1 to i32
      %cond3A_299 = arith.constant 0 : i32
      %cond3A_300 = arith.cmpi ne, %convert_element_type3A_298, %cond3A_299 : i32
      scf.if %cond3A_300 {
        %sub3A = arith.constant 8 : i32
        %sub3A_390 = arith.subi %add3A_254, %sub3A : i32
        %dma_wait3A_391 = arith.constant 1 : i32
        %dma_wait3A_392 = arith.constant 0 : i32
        %dma_wait3A_393 = tpu.memref_slice %arg4[%dma_wait3A_391, %sub3A_390, %dma_wait3A_392] : memref<4x8192x1024xf32, #tpu.memory_space<hbm>> -> memref<1x8x1024xf32, #tpu.memory_space<hbm>>
        %dma_wait3A_394 = tpu.memref_squeeze %dma_wait3A_393 : memref<1x8x1024xf32, #tpu.memory_space<hbm>> -> memref<8x1024xf32, #tpu.memory_space<hbm>>
        %dma_wait3A_395 = arith.constant 0 : i32
        %dma_wait3A_396 = tpu.memref_slice %arg4[%dma_wait3A_391, %sub3A_390, %dma_wait3A_395] : memref<4x8192x1024xf32, #tpu.memory_space<hbm>> -> memref<1x8x1024xf32, #tpu.memory_space<hbm>>
        %dma_wait3A_397 = tpu.memref_squeeze %dma_wait3A_396 : memref<1x8x1024xf32, #tpu.memory_space<hbm>> -> memref<8x1024xf32, #tpu.memory_space<hbm>>
        tpu.wait_dma2 semaphore(%arg26 : memref<!tpu.dma_semaphore, #tpu.memory_space<semaphore_mem>>) src(%arg8 : memref<8x1024xf32, #tpu.memory_space<vmem>>) dst(%dma_wait3A_397 : memref<8x1024xf32, #tpu.memory_space<hbm>>)
        %add3A_398 = arith.constant 8 : i32
        %add3A_399 = arith.addi %add3A_254, %add3A_398 : i32
        %add3A_400 = arith.constant 248 : i32
        %add3A_401 = arith.addi %mul3A_2, %add3A_400 : i32
        %min3A_402 = arith.minsi %add3A_399, %add3A_401 : i32
        %dma_start3A_403 = arith.constant 1 : i32
        %dma_start3A_404 = arith.constant 0 : i32
        %dma_start3A_405 = tpu.memref_slice %arg2[%dma_start3A_403, %min3A_402, %dma_start3A_404] : memref<4x8192x1024xf32, #tpu.memory_space<hbm>> -> memref<1x8x1024xf32, #tpu.memory_space<hbm>>
        %dma_start3A_406 = tpu.memref_squeeze %dma_start3A_405 : memref<1x8x1024xf32, #tpu.memory_space<hbm>> -> memref<8x1024xf32, #tpu.memory_space<hbm>>
        %dma_start3A_407 = arith.constant 0 : i32
        %dma_start3A_408 = tpu.memref_slice %arg2[%dma_start3A_403, %min3A_402, %dma_start3A_407] : memref<4x8192x1024xf32, #tpu.memory_space<hbm>> -> memref<1x8x1024xf32, #tpu.memory_space<hbm>>
        %dma_start3A_409 = tpu.memref_squeeze %dma_start3A_408 : memref<1x8x1024xf32, #tpu.memory_space<hbm>> -> memref<8x1024xf32, #tpu.memory_space<hbm>>
        tpu.enqueue_dma source(%dma_start3A_409 : memref<8x1024xf32, #tpu.memory_space<hbm>>) target(%arg8 : memref<8x1024xf32, #tpu.memory_space<vmem>>) target_semaphore(%arg18 : memref<!tpu.dma_semaphore, #tpu.memory_space<semaphore_mem>>)
      } else {
      }
      %eq3A_301 = arith.constant 0 : i32
      %eq3A_302 = arith.cmpi eq, %add3A_251, %eq3A_301 : i32
      %convert_element_type3A_303 = arith.extui %eq3A_302 : i1 to i32
      %cond3A_304 = arith.constant 0 : i32
      %cond3A_305 = arith.cmpi ne, %convert_element_type3A_303, %cond3A_304 : i32
      scf.if %cond3A_305 {
        %add3A_390 = arith.constant 8 : i32
        %add3A_391 = arith.addi %add3A_254, %add3A_390 : i32
        %dma_start3A_392 = arith.constant 1 : i32
        %dma_start3A_393 = arith.constant 0 : i32
        %dma_start3A_394 = tpu.memref_slice %arg2[%dma_start3A_392, %add3A_391, %dma_start3A_393] : memref<4x8192x1024xf32, #tpu.memory_space<hbm>> -> memref<1x8x1024xf32, #tpu.memory_space<hbm>>
        %dma_start3A_395 = tpu.memref_squeeze %dma_start3A_394 : memref<1x8x1024xf32, #tpu.memory_space<hbm>> -> memref<8x1024xf32, #tpu.memory_space<hbm>>
        %dma_start3A_396 = arith.constant 0 : i32
        %dma_start3A_397 = tpu.memref_slice %arg2[%dma_start3A_392, %add3A_391, %dma_start3A_396] : memref<4x8192x1024xf32, #tpu.memory_space<hbm>> -> memref<1x8x1024xf32, #tpu.memory_space<hbm>>
        %dma_start3A_398 = tpu.memref_squeeze %dma_start3A_397 : memref<1x8x1024xf32, #tpu.memory_space<hbm>> -> memref<8x1024xf32, #tpu.memory_space<hbm>>
        tpu.enqueue_dma source(%dma_start3A_398 : memref<8x1024xf32, #tpu.memory_space<hbm>>) target(%arg8 : memref<8x1024xf32, #tpu.memory_space<vmem>>) target_semaphore(%arg18 : memref<!tpu.dma_semaphore, #tpu.memory_space<semaphore_mem>>)
      } else {
      }
      %scan3A_306 = arith.constant 0 : i32
      %scan3A_307 = arith.constant 0 : i32
      %scan3A_308 = arith.constant 8 : i32
      %scan3A_309 = arith.addi %scan3A_307, %scan3A_308 : i32
      %scan3A_310 = arith.constant 1 : i32
      scf.for %scan3A_390 = %scan3A_307 to %scan3A_309 step %scan3A_310  : i32 {
        %parallel_loop3A = arith.constant 0 : i32
        %parallel_loop3A_391 = arith.constant 64 : i32
        %parallel_loop3A_392 = arith.constant 1 : i32
        scf.for %parallel_loop3A_393 = %parallel_loop3A to %parallel_loop3A_391 step %parallel_loop3A_392  : i32 {
          %parallel_loop3A_394 = arith.constant 16 : i32
          %parallel_loop3A_395 = arith.muli %parallel_loop3A_393, %parallel_loop3A_394 : i32
          %parallel_loop3A_396 = arith.index_cast %scan3A_390 : i32 to index
          %parallel_loop3A_397 = arith.index_cast %parallel_loop3A_395 : i32 to index
          %parallel_loop3A_398 = tpu.vector_load %arg6[%parallel_loop3A_396, %parallel_loop3A_397] {strides = array<i32>} : memref<8x1024xf32, #tpu.memory_space<vmem>>, vector<1x16xf32>,
          %parallel_loop3A_399 = vector.shape_cast %parallel_loop3A_398 : vector<1x16xf32> to vector<16xf32>
          %parallel_loop3A_400 = arith.index_cast %scan3A_390 : i32 to index
          %parallel_loop3A_401 = arith.index_cast %parallel_loop3A_395 : i32 to index
          %parallel_loop3A_402 = tpu.vector_load %arg12[%parallel_loop3A_400, %parallel_loop3A_401] {strides = array<i32>} : memref<8x1024xf32, #tpu.memory_space<vmem>>, vector<1x16xf32>,
          %parallel_loop3A_403 = vector.shape_cast %parallel_loop3A_402 : vector<1x16xf32> to vector<16xf32>
          %parallel_loop3A_404 = vector.shape_cast %parallel_loop3A_399 : vector<16xf32> to vector<1x16xf32>
          tpu.vector_store %arg12[%parallel_loop3A_400, %parallel_loop3A_401], %parallel_loop3A_404 {add = true, strides = array<i32>} : memref<8x1024xf32, #tpu.memory_space<vmem>>, vector<1x16xf32>,
        } {sc.loop_unroll_factor = 8 : i64, sc.parallel_access}
      }
      %scan3A_311 = arith.constant 8 : i32
      %dma_start3A_312 = arith.constant 1 : i32
      %dma_start3A_313 = arith.constant 0 : i32
      %dma_start3A_314 = tpu.memref_slice %arg4[%dma_start3A_312, %add3A_254, %dma_start3A_313] : memref<4x8192x1024xf32, #tpu.memory_space<hbm>> -> memref<1x8x1024xf32, #tpu.memory_space<hbm>>
      %dma_start3A_315 = tpu.memref_squeeze %dma_start3A_314 : memref<1x8x1024xf32, #tpu.memory_space<hbm>> -> memref<8x1024xf32, #tpu.memory_space<hbm>>
      %dma_start3A_316 = arith.constant 0 : i32
      %dma_start3A_317 = tpu.memref_slice %arg4[%dma_start3A_312, %add3A_254, %dma_start3A_316] : memref<4x8192x1024xf32, #tpu.memory_space<hbm>> -> memref<1x8x1024xf32, #tpu.memory_space<hbm>>
      %dma_start3A_318 = tpu.memref_squeeze %dma_start3A_317 : memref<1x8x1024xf32, #tpu.memory_space<hbm>> -> memref<8x1024xf32, #tpu.memory_space<hbm>>
      tpu.enqueue_dma source(%arg12 : memref<8x1024xf32, #tpu.memory_space<vmem>>) target(%dma_start3A_318 : memref<8x1024xf32, #tpu.memory_space<hbm>>) target_semaphore(%arg30 : memref<!tpu.dma_semaphore, #tpu.memory_space<semaphore_mem>>)
      %dma_wait3A_319 = arith.constant 2 : i32
      %dma_wait3A_320 = arith.constant 0 : i32
      %dma_wait3A_321 = tpu.memref_slice %arg2[%dma_wait3A_319, %add3A_254, %dma_wait3A_320] : memref<4x8192x1024xf32, #tpu.memory_space<hbm>> -> memref<1x8x1024xf32, #tpu.memory_space<hbm>>
      %dma_wait3A_322 = tpu.memref_squeeze %dma_wait3A_321 : memref<1x8x1024xf32, #tpu.memory_space<hbm>> -> memref<8x1024xf32, #tpu.memory_space<hbm>>
      %dma_wait3A_323 = arith.constant 0 : i32
      %dma_wait3A_324 = tpu.memref_slice %arg2[%dma_wait3A_319, %add3A_254, %dma_wait3A_323] : memref<4x8192x1024xf32, #tpu.memory_space<hbm>> -> memref<1x8x1024xf32, #tpu.memory_space<hbm>>
      %dma_wait3A_325 = tpu.memref_squeeze %dma_wait3A_324 : memref<1x8x1024xf32, #tpu.memory_space<hbm>> -> memref<8x1024xf32, #tpu.memory_space<hbm>>
      tpu.wait_dma2 semaphore(%arg23 : memref<!tpu.dma_semaphore, #tpu.memory_space<semaphore_mem>>) src(%dma_wait3A_325 : memref<8x1024xf32, #tpu.memory_space<hbm>>) dst(%arg13 : memref<8x1024xf32, #tpu.memory_space<vmem>>)
      %gt3A_326 = arith.constant 0 : i32
      %gt3A_327 = arith.cmpi sgt, %add3A_251, %gt3A_326 : i32
      %convert_element_type3A_328 = arith.extui %gt3A_327 : i1 to i32
      %cond3A_329 = arith.constant 0 : i32
      %cond3A_330 = arith.cmpi ne, %convert_element_type3A_328, %cond3A_329 : i32
      scf.if %cond3A_330 {
        %sub3A = arith.constant 8 : i32
        %sub3A_390 = arith.subi %add3A_254, %sub3A : i32
        %dma_wait3A_391 = arith.constant 2 : i32
        %dma_wait3A_392 = arith.constant 0 : i32
        %dma_wait3A_393 = tpu.memref_slice %arg4[%dma_wait3A_391, %sub3A_390, %dma_wait3A_392] : memref<4x8192x1024xf32, #tpu.memory_space<hbm>> -> memref<1x8x1024xf32, #tpu.memory_space<hbm>>
        %dma_wait3A_394 = tpu.memref_squeeze %dma_wait3A_393 : memref<1x8x1024xf32, #tpu.memory_space<hbm>> -> memref<8x1024xf32, #tpu.memory_space<hbm>>
        %dma_wait3A_395 = arith.constant 0 : i32
        %dma_wait3A_396 = tpu.memref_slice %arg4[%dma_wait3A_391, %sub3A_390, %dma_wait3A_395] : memref<4x8192x1024xf32, #tpu.memory_space<hbm>> -> memref<1x8x1024xf32, #tpu.memory_space<hbm>>
        %dma_wait3A_397 = tpu.memref_squeeze %dma_wait3A_396 : memref<1x8x1024xf32, #tpu.memory_space<hbm>> -> memref<8x1024xf32, #tpu.memory_space<hbm>>
        tpu.wait_dma2 semaphore(%arg27 : memref<!tpu.dma_semaphore, #tpu.memory_space<semaphore_mem>>) src(%arg9 : memref<8x1024xf32, #tpu.memory_space<vmem>>) dst(%dma_wait3A_397 : memref<8x1024xf32, #tpu.memory_space<hbm>>)
        %add3A_398 = arith.constant 8 : i32
        %add3A_399 = arith.addi %add3A_254, %add3A_398 : i32
        %add3A_400 = arith.constant 248 : i32
        %add3A_401 = arith.addi %mul3A_2, %add3A_400 : i32
        %min3A_402 = arith.minsi %add3A_399, %add3A_401 : i32
        %dma_start3A_403 = arith.constant 2 : i32
        %dma_start3A_404 = arith.constant 0 : i32
        %dma_start3A_405 = tpu.memref_slice %arg2[%dma_start3A_403, %min3A_402, %dma_start3A_404] : memref<4x8192x1024xf32, #tpu.memory_space<hbm>> -> memref<1x8x1024xf32, #tpu.memory_space<hbm>>
        %dma_start3A_406 = tpu.memref_squeeze %dma_start3A_405 : memref<1x8x1024xf32, #tpu.memory_space<hbm>> -> memref<8x1024xf32, #tpu.memory_space<hbm>>
        %dma_start3A_407 = arith.constant 0 : i32
        %dma_start3A_408 = tpu.memref_slice %arg2[%dma_start3A_403, %min3A_402, %dma_start3A_407] : memref<4x8192x1024xf32, #tpu.memory_space<hbm>> -> memref<1x8x1024xf32, #tpu.memory_space<hbm>>
        %dma_start3A_409 = tpu.memref_squeeze %dma_start3A_408 : memref<1x8x1024xf32, #tpu.memory_space<hbm>> -> memref<8x1024xf32, #tpu.memory_space<hbm>>
        tpu.enqueue_dma source(%dma_start3A_409 : memref<8x1024xf32, #tpu.memory_space<hbm>>) target(%arg9 : memref<8x1024xf32, #tpu.memory_space<vmem>>) target_semaphore(%arg19 : memref<!tpu.dma_semaphore, #tpu.memory_space<semaphore_mem>>)
      } else {
      }
      %eq3A_331 = arith.constant 0 : i32
      %eq3A_332 = arith.cmpi eq, %add3A_251, %eq3A_331 : i32
      %convert_element_type3A_333 = arith.extui %eq3A_332 : i1 to i32
      %cond3A_334 = arith.constant 0 : i32
      %cond3A_335 = arith.cmpi ne, %convert_element_type3A_333, %cond3A_334 : i32
      scf.if %cond3A_335 {
        %add3A_390 = arith.constant 8 : i32
        %add3A_391 = arith.addi %add3A_254, %add3A_390 : i32
        %dma_start3A_392 = arith.constant 2 : i32
        %dma_start3A_393 = arith.constant 0 : i32
        %dma_start3A_394 = tpu.memref_slice %arg2[%dma_start3A_392, %add3A_391, %dma_start3A_393] : memref<4x8192x1024xf32, #tpu.memory_space<hbm>> -> memref<1x8x1024xf32, #tpu.memory_space<hbm>>
        %dma_start3A_395 = tpu.memref_squeeze %dma_start3A_394 : memref<1x8x1024xf32, #tpu.memory_space<hbm>> -> memref<8x1024xf32, #tpu.memory_space<hbm>>
        %dma_start3A_396 = arith.constant 0 : i32
        %dma_start3A_397 = tpu.memref_slice %arg2[%dma_start3A_392, %add3A_391, %dma_start3A_396] : memref<4x8192x1024xf32, #tpu.memory_space<hbm>> -> memref<1x8x1024xf32, #tpu.memory_space<hbm>>
        %dma_start3A_398 = tpu.memref_squeeze %dma_start3A_397 : memref<1x8x1024xf32, #tpu.memory_space<hbm>> -> memref<8x1024xf32, #tpu.memory_space<hbm>>
        tpu.enqueue_dma source(%dma_start3A_398 : memref<8x1024xf32, #tpu.memory_space<hbm>>) target(%arg9 : memref<8x1024xf32, #tpu.memory_space<vmem>>) target_semaphore(%arg19 : memref<!tpu.dma_semaphore, #tpu.memory_space<semaphore_mem>>)
      } else {
      }
      %scan3A_336 = arith.constant 0 : i32
      %scan3A_337 = arith.constant 0 : i32
      %scan3A_338 = arith.constant 8 : i32
      %scan3A_339 = arith.addi %scan3A_337, %scan3A_338 : i32
      %scan3A_340 = arith.constant 1 : i32
      scf.for %scan3A_390 = %scan3A_337 to %scan3A_339 step %scan3A_340  : i32 {
        %parallel_loop3A = arith.constant 0 : i32
        %parallel_loop3A_391 = arith.constant 64 : i32
        %parallel_loop3A_392 = arith.constant 1 : i32
        scf.for %parallel_loop3A_393 = %parallel_loop3A to %parallel_loop3A_391 step %parallel_loop3A_392  : i32 {
          %parallel_loop3A_394 = arith.constant 16 : i32
          %parallel_loop3A_395 = arith.muli %parallel_loop3A_393, %parallel_loop3A_394 : i32
          %parallel_loop3A_396 = arith.index_cast %scan3A_390 : i32 to index
          %parallel_loop3A_397 = arith.index_cast %parallel_loop3A_395 : i32 to index
          %parallel_loop3A_398 = tpu.vector_load %arg6[%parallel_loop3A_396, %parallel_loop3A_397] {strides = array<i32>} : memref<8x1024xf32, #tpu.memory_space<vmem>>, vector<1x16xf32>,
          %parallel_loop3A_399 = vector.shape_cast %parallel_loop3A_398 : vector<1x16xf32> to vector<16xf32>
          %parallel_loop3A_400 = arith.index_cast %scan3A_390 : i32 to index
          %parallel_loop3A_401 = arith.index_cast %parallel_loop3A_395 : i32 to index
          %parallel_loop3A_402 = tpu.vector_load %arg13[%parallel_loop3A_400, %parallel_loop3A_401] {strides = array<i32>} : memref<8x1024xf32, #tpu.memory_space<vmem>>, vector<1x16xf32>,
          %parallel_loop3A_403 = vector.shape_cast %parallel_loop3A_402 : vector<1x16xf32> to vector<16xf32>
          %parallel_loop3A_404 = vector.shape_cast %parallel_loop3A_399 : vector<16xf32> to vector<1x16xf32>
          tpu.vector_store %arg13[%parallel_loop3A_400, %parallel_loop3A_401], %parallel_loop3A_404 {add = true, strides = array<i32>} : memref<8x1024xf32, #tpu.memory_space<vmem>>, vector<1x16xf32>,
        } {sc.loop_unroll_factor = 8 : i64, sc.parallel_access}
      }
      %scan3A_341 = arith.constant 8 : i32
      %dma_start3A_342 = arith.constant 2 : i32
      %dma_start3A_343 = arith.constant 0 : i32
      %dma_start3A_344 = tpu.memref_slice %arg4[%dma_start3A_342, %add3A_254, %dma_start3A_343] : memref<4x8192x1024xf32, #tpu.memory_space<hbm>> -> memref<1x8x1024xf32, #tpu.memory_space<hbm>>
      %dma_start3A_345 = tpu.memref_squeeze %dma_start3A_344 : memref<1x8x1024xf32, #tpu.memory_space<hbm>> -> memref<8x1024xf32, #tpu.memory_space<hbm>>
      %dma_start3A_346 = arith.constant 0 : i32
      %dma_start3A_347 = tpu.memref_slice %arg4[%dma_start3A_342, %add3A_254, %dma_start3A_346] : memref<4x8192x1024xf32, #tpu.memory_space<hbm>> -> memref<1x8x1024xf32, #tpu.memory_space<hbm>>
      %dma_start3A_348 = tpu.memref_squeeze %dma_start3A_347 : memref<1x8x1024xf32, #tpu.memory_space<hbm>> -> memref<8x1024xf32, #tpu.memory_space<hbm>>
      tpu.enqueue_dma source(%arg13 : memref<8x1024xf32, #tpu.memory_space<vmem>>) target(%dma_start3A_348 : memref<8x1024xf32, #tpu.memory_space<hbm>>) target_semaphore(%arg31 : memref<!tpu.dma_semaphore, #tpu.memory_space<semaphore_mem>>)
      %dma_wait3A_349 = arith.constant 3 : i32
      %dma_wait3A_350 = arith.constant 0 : i32
      %dma_wait3A_351 = tpu.memref_slice %arg2[%dma_wait3A_349, %add3A_254, %dma_wait3A_350] : memref<4x8192x1024xf32, #tpu.memory_space<hbm>> -> memref<1x8x1024xf32, #tpu.memory_space<hbm>>
      %dma_wait3A_352 = tpu.memref_squeeze %dma_wait3A_351 : memref<1x8x1024xf32, #tpu.memory_space<hbm>> -> memref<8x1024xf32, #tpu.memory_space<hbm>>
      %dma_wait3A_353 = arith.constant 0 : i32
      %dma_wait3A_354 = tpu.memref_slice %arg2[%dma_wait3A_349, %add3A_254, %dma_wait3A_353] : memref<4x8192x1024xf32, #tpu.memory_space<hbm>> -> memref<1x8x1024xf32, #tpu.memory_space<hbm>>
      %dma_wait3A_355 = tpu.memref_squeeze %dma_wait3A_354 : memref<1x8x1024xf32, #tpu.memory_space<hbm>> -> memref<8x1024xf32, #tpu.memory_space<hbm>>
      tpu.wait_dma2 semaphore(%arg24 : memref<!tpu.dma_semaphore, #tpu.memory_space<semaphore_mem>>) src(%dma_wait3A_355 : memref<8x1024xf32, #tpu.memory_space<hbm>>) dst(%arg14 : memref<8x1024xf32, #tpu.memory_space<vmem>>)
      %gt3A_356 = arith.constant 0 : i32
      %gt3A_357 = arith.cmpi sgt, %add3A_251, %gt3A_356 : i32
      %convert_element_type3A_358 = arith.extui %gt3A_357 : i1 to i32
      %cond3A_359 = arith.constant 0 : i32
      %cond3A_360 = arith.cmpi ne, %convert_element_type3A_358, %cond3A_359 : i32
      scf.if %cond3A_360 {
        %sub3A = arith.constant 8 : i32
        %sub3A_390 = arith.subi %add3A_254, %sub3A : i32
        %dma_wait3A_391 = arith.constant 3 : i32
        %dma_wait3A_392 = arith.constant 0 : i32
        %dma_wait3A_393 = tpu.memref_slice %arg4[%dma_wait3A_391, %sub3A_390, %dma_wait3A_392] : memref<4x8192x1024xf32, #tpu.memory_space<hbm>> -> memref<1x8x1024xf32, #tpu.memory_space<hbm>>
        %dma_wait3A_394 = tpu.memref_squeeze %dma_wait3A_393 : memref<1x8x1024xf32, #tpu.memory_space<hbm>> -> memref<8x1024xf32, #tpu.memory_space<hbm>>
        %dma_wait3A_395 = arith.constant 0 : i32
        %dma_wait3A_396 = tpu.memref_slice %arg4[%dma_wait3A_391, %sub3A_390, %dma_wait3A_395] : memref<4x8192x1024xf32, #tpu.memory_space<hbm>> -> memref<1x8x1024xf32, #tpu.memory_space<hbm>>
        %dma_wait3A_397 = tpu.memref_squeeze %dma_wait3A_396 : memref<1x8x1024xf32, #tpu.memory_space<hbm>> -> memref<8x1024xf32, #tpu.memory_space<hbm>>
        tpu.wait_dma2 semaphore(%arg28 : memref<!tpu.dma_semaphore, #tpu.memory_space<semaphore_mem>>) src(%arg10 : memref<8x1024xf32, #tpu.memory_space<vmem>>) dst(%dma_wait3A_397 : memref<8x1024xf32, #tpu.memory_space<hbm>>)
        %add3A_398 = arith.constant 8 : i32
        %add3A_399 = arith.addi %add3A_254, %add3A_398 : i32
        %add3A_400 = arith.constant 248 : i32
        %add3A_401 = arith.addi %mul3A_2, %add3A_400 : i32
        %min3A_402 = arith.minsi %add3A_399, %add3A_401 : i32
        %dma_start3A_403 = arith.constant 3 : i32
        %dma_start3A_404 = arith.constant 0 : i32
        %dma_start3A_405 = tpu.memref_slice %arg2[%dma_start3A_403, %min3A_402, %dma_start3A_404] : memref<4x8192x1024xf32, #tpu.memory_space<hbm>> -> memref<1x8x1024xf32, #tpu.memory_space<hbm>>
        %dma_start3A_406 = tpu.memref_squeeze %dma_start3A_405 : memref<1x8x1024xf32, #tpu.memory_space<hbm>> -> memref<8x1024xf32, #tpu.memory_space<hbm>>
        %dma_start3A_407 = arith.constant 0 : i32
        %dma_start3A_408 = tpu.memref_slice %arg2[%dma_start3A_403, %min3A_402, %dma_start3A_407] : memref<4x8192x1024xf32, #tpu.memory_space<hbm>> -> memref<1x8x1024xf32, #tpu.memory_space<hbm>>
        %dma_start3A_409 = tpu.memref_squeeze %dma_start3A_408 : memref<1x8x1024xf32, #tpu.memory_space<hbm>> -> memref<8x1024xf32, #tpu.memory_space<hbm>>
        tpu.enqueue_dma source(%dma_start3A_409 : memref<8x1024xf32, #tpu.memory_space<hbm>>) target(%arg10 : memref<8x1024xf32, #tpu.memory_space<vmem>>) target_semaphore(%arg20 : memref<!tpu.dma_semaphore, #tpu.memory_space<semaphore_mem>>)
      } else {
      }
      %eq3A_361 = arith.constant 0 : i32
      %eq3A_362 = arith.cmpi eq, %add3A_251, %eq3A_361 : i32
      %convert_element_type3A_363 = arith.extui %eq3A_362 : i1 to i32
      %cond3A_364 = arith.constant 0 : i32
      %cond3A_365 = arith.cmpi ne, %convert_element_type3A_363, %cond3A_364 : i32
      scf.if %cond3A_365 {
        %add3A_390 = arith.constant 8 : i32
        %add3A_391 = arith.addi %add3A_254, %add3A_390 : i32
        %dma_start3A_392 = arith.constant 3 : i32
        %dma_start3A_393 = arith.constant 0 : i32
        %dma_start3A_394 = tpu.memref_slice %arg2[%dma_start3A_392, %add3A_391, %dma_start3A_393] : memref<4x8192x1024xf32, #tpu.memory_space<hbm>> -> memref<1x8x1024xf32, #tpu.memory_space<hbm>>
        %dma_start3A_395 = tpu.memref_squeeze %dma_start3A_394 : memref<1x8x1024xf32, #tpu.memory_space<hbm>> -> memref<8x1024xf32, #tpu.memory_space<hbm>>
        %dma_start3A_396 = arith.constant 0 : i32
        %dma_start3A_397 = tpu.memref_slice %arg2[%dma_start3A_392, %add3A_391, %dma_start3A_396] : memref<4x8192x1024xf32, #tpu.memory_space<hbm>> -> memref<1x8x1024xf32, #tpu.memory_space<hbm>>
        %dma_start3A_398 = tpu.memref_squeeze %dma_start3A_397 : memref<1x8x1024xf32, #tpu.memory_space<hbm>> -> memref<8x1024xf32, #tpu.memory_space<hbm>>
        tpu.enqueue_dma source(%dma_start3A_398 : memref<8x1024xf32, #tpu.memory_space<hbm>>) target(%arg10 : memref<8x1024xf32, #tpu.memory_space<vmem>>) target_semaphore(%arg20 : memref<!tpu.dma_semaphore, #tpu.memory_space<semaphore_mem>>)
      } else {
      }
      %scan3A_366 = arith.constant 0 : i32
      %scan3A_367 = arith.constant 0 : i32
      %scan3A_368 = arith.constant 8 : i32
      %scan3A_369 = arith.addi %scan3A_367, %scan3A_368 : i32
      %scan3A_370 = arith.constant 1 : i32
      scf.for %scan3A_390 = %scan3A_367 to %scan3A_369 step %scan3A_370  : i32 {
        %parallel_loop3A = arith.constant 0 : i32
        %parallel_loop3A_391 = arith.constant 64 : i32
        %parallel_loop3A_392 = arith.constant 1 : i32
        scf.for %parallel_loop3A_393 = %parallel_loop3A to %parallel_loop3A_391 step %parallel_loop3A_392  : i32 {
          %parallel_loop3A_394 = arith.constant 16 : i32
          %parallel_loop3A_395 = arith.muli %parallel_loop3A_393, %parallel_loop3A_394 : i32
          %parallel_loop3A_396 = arith.index_cast %scan3A_390 : i32 to index
          %parallel_loop3A_397 = arith.index_cast %parallel_loop3A_395 : i32 to index
          %parallel_loop3A_398 = tpu.vector_load %arg6[%parallel_loop3A_396, %parallel_loop3A_397] {strides = array<i32>} : memref<8x1024xf32, #tpu.memory_space<vmem>>, vector<1x16xf32>,
          %parallel_loop3A_399 = vector.shape_cast %parallel_loop3A_398 : vector<1x16xf32> to vector<16xf32>
          %parallel_loop3A_400 = arith.index_cast %scan3A_390 : i32 to index
          %parallel_loop3A_401 = arith.index_cast %parallel_loop3A_395 : i32 to index
          %parallel_loop3A_402 = tpu.vector_load %arg14[%parallel_loop3A_400, %parallel_loop3A_401] {strides = array<i32>} : memref<8x1024xf32, #tpu.memory_space<vmem>>, vector<1x16xf32>,
          %parallel_loop3A_403 = vector.shape_cast %parallel_loop3A_402 : vector<1x16xf32> to vector<16xf32>
          %parallel_loop3A_404 = vector.shape_cast %parallel_loop3A_399 : vector<16xf32> to vector<1x16xf32>
          tpu.vector_store %arg14[%parallel_loop3A_400, %parallel_loop3A_401], %parallel_loop3A_404 {add = true, strides = array<i32>} : memref<8x1024xf32, #tpu.memory_space<vmem>>, vector<1x16xf32>,
        } {sc.loop_unroll_factor = 8 : i64, sc.parallel_access}
      }
      %scan3A_371 = arith.constant 8 : i32
      %dma_start3A_372 = arith.constant 3 : i32
      %dma_start3A_373 = arith.constant 0 : i32
      %dma_start3A_374 = tpu.memref_slice %arg4[%dma_start3A_372, %add3A_254, %dma_start3A_373] : memref<4x8192x1024xf32, #tpu.memory_space<hbm>> -> memref<1x8x1024xf32, #tpu.memory_space<hbm>>
      %dma_start3A_375 = tpu.memref_squeeze %dma_start3A_374 : memref<1x8x1024xf32, #tpu.memory_space<hbm>> -> memref<8x1024xf32, #tpu.memory_space<hbm>>
      %dma_start3A_376 = arith.constant 0 : i32
      %dma_start3A_377 = tpu.memref_slice %arg4[%dma_start3A_372, %add3A_254, %dma_start3A_376] : memref<4x8192x1024xf32, #tpu.memory_space<hbm>> -> memref<1x8x1024xf32, #tpu.memory_space<hbm>>
      %dma_start3A_378 = tpu.memref_squeeze %dma_start3A_377 : memref<1x8x1024xf32, #tpu.memory_space<hbm>> -> memref<8x1024xf32, #tpu.memory_space<hbm>>
      tpu.enqueue_dma source(%arg14 : memref<8x1024xf32, #tpu.memory_space<vmem>>) target(%dma_start3A_378 : memref<8x1024xf32, #tpu.memory_space<hbm>>) target_semaphore(%arg32 : memref<!tpu.dma_semaphore, #tpu.memory_space<semaphore_mem>>)
      %add3A_379 = arith.constant 2 : i32
      %add3A_380 = arith.addi %add3A_251, %add3A_379 : i32
      %min3A_381 = arith.constant 31 : i32
      %min3A_382 = arith.minsi %add3A_380, %min3A_381 : i32
      %mul3A_383 = arith.constant 8 : i32
      %mul3A_384 = arith.muli %min3A_382, %mul3A_383 : i32
      %add3A_385 = arith.addi %mul3A_2, %mul3A_384 : i32
      %dma_start3A_386 = arith.constant 0 : i32
      %dma_start3A_387 = tpu.memref_slice %arg3[%add3A_385, %dma_start3A_386] : memref<8192x1024xf32, #tpu.memory_space<hbm>> -> memref<8x1024xf32, #tpu.memory_space<hbm>>
      %dma_start3A_388 = arith.constant 0 : i32
      %dma_start3A_389 = tpu.memref_slice %arg3[%add3A_385, %dma_start3A_388] : memref<8192x1024xf32, #tpu.memory_space<hbm>> -> memref<8x1024xf32, #tpu.memory_space<hbm>>
      tpu.enqueue_dma source(%dma_start3A_389 : memref<8x1024xf32, #tpu.memory_space<hbm>>) target(%arg6 : memref<8x1024xf32, #tpu.memory_space<vmem>>) target_semaphore(%arg16 : memref<!tpu.dma_semaphore, #tpu.memory_space<semaphore_mem>>)
    }
    %scan3A_44 = arith.constant 16 : i32
    %add3A_45 = arith.constant 248 : i32
    %add3A_46 = arith.addi %mul3A_2, %add3A_45 : i32
    %dma_wait3A = arith.constant 0 : i32
    %dma_wait3A_47 = arith.constant 0 : i32
    %dma_wait3A_48 = tpu.memref_slice %arg4[%dma_wait3A, %add3A_46, %dma_wait3A_47] : memref<4x8192x1024xf32, #tpu.memory_space<hbm>> -> memref<1x8x1024xf32, #tpu.memory_space<hbm>>
    %dma_wait3A_49 = tpu.memref_squeeze %dma_wait3A_48 : memref<1x8x1024xf32, #tpu.memory_space<hbm>> -> memref<8x1024xf32, #tpu.memory_space<hbm>>
    %dma_wait3A_50 = arith.constant 0 : i32
    %dma_wait3A_51 = tpu.memref_slice %arg4[%dma_wait3A, %add3A_46, %dma_wait3A_50] : memref<4x8192x1024xf32, #tpu.memory_space<hbm>> -> memref<1x8x1024xf32, #tpu.memory_space<hbm>>
    %dma_wait3A_52 = tpu.memref_squeeze %dma_wait3A_51 : memref<1x8x1024xf32, #tpu.memory_space<hbm>> -> memref<8x1024xf32, #tpu.memory_space<hbm>>
    tpu.wait_dma2 semaphore(%arg29 : memref<!tpu.dma_semaphore, #tpu.memory_space<semaphore_mem>>) src(%arg11 : memref<8x1024xf32, #tpu.memory_space<vmem>>) dst(%dma_wait3A_52 : memref<8x1024xf32, #tpu.memory_space<hbm>>)
    %dma_wait3A_53 = arith.constant 0 : i32
    %dma_wait3A_54 = arith.constant 0 : i32
    %dma_wait3A_55 = tpu.memref_slice %arg2[%dma_wait3A_53, %add3A_46, %dma_wait3A_54] : memref<4x8192x1024xf32, #tpu.memory_space<hbm>> -> memref<1x8x1024xf32, #tpu.memory_space<hbm>>
    %dma_wait3A_56 = tpu.memref_squeeze %dma_wait3A_55 : memref<1x8x1024xf32, #tpu.memory_space<hbm>> -> memref<8x1024xf32, #tpu.memory_space<hbm>>
    %dma_wait3A_57 = arith.constant 0 : i32
    %dma_wait3A_58 = tpu.memref_slice %arg2[%dma_wait3A_53, %add3A_46, %dma_wait3A_57] : memref<4x8192x1024xf32, #tpu.memory_space<hbm>> -> memref<1x8x1024xf32, #tpu.memory_space<hbm>>
    %dma_wait3A_59 = tpu.memref_squeeze %dma_wait3A_58 : memref<1x8x1024xf32, #tpu.memory_space<hbm>> -> memref<8x1024xf32, #tpu.memory_space<hbm>>
    tpu.wait_dma2 semaphore(%arg17 : memref<!tpu.dma_semaphore, #tpu.memory_space<semaphore_mem>>) src(%dma_wait3A_59 : memref<8x1024xf32, #tpu.memory_space<hbm>>) dst(%arg7 : memref<8x1024xf32, #tpu.memory_space<vmem>>)
    %dma_wait3A_60 = arith.constant 1 : i32
    %dma_wait3A_61 = arith.constant 0 : i32
    %dma_wait3A_62 = tpu.memref_slice %arg4[%dma_wait3A_60, %add3A_46, %dma_wait3A_61] : memref<4x8192x1024xf32, #tpu.memory_space<hbm>> -> memref<1x8x1024xf32, #tpu.memory_space<hbm>>
    %dma_wait3A_63 = tpu.memref_squeeze %dma_wait3A_62 : memref<1x8x1024xf32, #tpu.memory_space<hbm>> -> memref<8x1024xf32, #tpu.memory_space<hbm>>
    %dma_wait3A_64 = arith.constant 0 : i32
    %dma_wait3A_65 = tpu.memref_slice %arg4[%dma_wait3A_60, %add3A_46, %dma_wait3A_64] : memref<4x8192x1024xf32, #tpu.memory_space<hbm>> -> memref<1x8x1024xf32, #tpu.memory_space<hbm>>
    %dma_wait3A_66 = tpu.memref_squeeze %dma_wait3A_65 : memref<1x8x1024xf32, #tpu.memory_space<hbm>> -> memref<8x1024xf32, #tpu.memory_space<hbm>>
    tpu.wait_dma2 semaphore(%arg30 : memref<!tpu.dma_semaphore, #tpu.memory_space<semaphore_mem>>) src(%arg12 : memref<8x1024xf32, #tpu.memory_space<vmem>>) dst(%dma_wait3A_66 : memref<8x1024xf32, #tpu.memory_space<hbm>>)
    %dma_wait3A_67 = arith.constant 1 : i32
    %dma_wait3A_68 = arith.constant 0 : i32
    %dma_wait3A_69 = tpu.memref_slice %arg2[%dma_wait3A_67, %add3A_46, %dma_wait3A_68] : memref<4x8192x1024xf32, #tpu.memory_space<hbm>> -> memref<1x8x1024xf32, #tpu.memory_space<hbm>>
    %dma_wait3A_70 = tpu.memref_squeeze %dma_wait3A_69 : memref<1x8x1024xf32, #tpu.memory_space<hbm>> -> memref<8x1024xf32, #tpu.memory_space<hbm>>
    %dma_wait3A_71 = arith.constant 0 : i32
    %dma_wait3A_72 = tpu.memref_slice %arg2[%dma_wait3A_67, %add3A_46, %dma_wait3A_71] : memref<4x8192x1024xf32, #tpu.memory_space<hbm>> -> memref<1x8x1024xf32, #tpu.memory_space<hbm>>
    %dma_wait3A_73 = tpu.memref_squeeze %dma_wait3A_72 : memref<1x8x1024xf32, #tpu.memory_space<hbm>> -> memref<8x1024xf32, #tpu.memory_space<hbm>>
    tpu.wait_dma2 semaphore(%arg18 : memref<!tpu.dma_semaphore, #tpu.memory_space<semaphore_mem>>) src(%dma_wait3A_73 : memref<8x1024xf32, #tpu.memory_space<hbm>>) dst(%arg8 : memref<8x1024xf32, #tpu.memory_space<vmem>>)
    %dma_wait3A_74 = arith.constant 2 : i32
    %dma_wait3A_75 = arith.constant 0 : i32
    %dma_wait3A_76 = tpu.memref_slice %arg4[%dma_wait3A_74, %add3A_46, %dma_wait3A_75] : memref<4x8192x1024xf32, #tpu.memory_space<hbm>> -> memref<1x8x1024xf32, #tpu.memory_space<hbm>>
    %dma_wait3A_77 = tpu.memref_squeeze %dma_wait3A_76 : memref<1x8x1024xf32, #tpu.memory_space<hbm>> -> memref<8x1024xf32, #tpu.memory_space<hbm>>
    %dma_wait3A_78 = arith.constant 0 : i32
    %dma_wait3A_79 = tpu.memref_slice %arg4[%dma_wait3A_74, %add3A_46, %dma_wait3A_78] : memref<4x8192x1024xf32, #tpu.memory_space<hbm>> -> memref<1x8x1024xf32, #tpu.memory_space<hbm>>
    %dma_wait3A_80 = tpu.memref_squeeze %dma_wait3A_79 : memref<1x8x1024xf32, #tpu.memory_space<hbm>> -> memref<8x1024xf32, #tpu.memory_space<hbm>>
    tpu.wait_dma2 semaphore(%arg31 : memref<!tpu.dma_semaphore, #tpu.memory_space<semaphore_mem>>) src(%arg13 : memref<8x1024xf32, #tpu.memory_space<vmem>>) dst(%dma_wait3A_80 : memref<8x1024xf32, #tpu.memory_space<hbm>>)
    %dma_wait3A_81 = arith.constant 2 : i32
    %dma_wait3A_82 = arith.constant 0 : i32
    %dma_wait3A_83 = tpu.memref_slice %arg2[%dma_wait3A_81, %add3A_46, %dma_wait3A_82] : memref<4x8192x1024xf32, #tpu.memory_space<hbm>> -> memref<1x8x1024xf32, #tpu.memory_space<hbm>>
    %dma_wait3A_84 = tpu.memref_squeeze %dma_wait3A_83 : memref<1x8x1024xf32, #tpu.memory_space<hbm>> -> memref<8x1024xf32, #tpu.memory_space<hbm>>
    %dma_wait3A_85 = arith.constant 0 : i32
    %dma_wait3A_86 = tpu.memref_slice %arg2[%dma_wait3A_81, %add3A_46, %dma_wait3A_85] : memref<4x8192x1024xf32, #tpu.memory_space<hbm>> -> memref<1x8x1024xf32, #tpu.memory_space<hbm>>
    %dma_wait3A_87 = tpu.memref_squeeze %dma_wait3A_86 : memref<1x8x1024xf32, #tpu.memory_space<hbm>> -> memref<8x1024xf32, #tpu.memory_space<hbm>>
    tpu.wait_dma2 semaphore(%arg19 : memref<!tpu.dma_semaphore, #tpu.memory_space<semaphore_mem>>) src(%dma_wait3A_87 : memref<8x1024xf32, #tpu.memory_space<hbm>>) dst(%arg9 : memref<8x1024xf32, #tpu.memory_space<vmem>>)
    %dma_wait3A_88 = arith.constant 3 : i32
    %dma_wait3A_89 = arith.constant 0 : i32
    %dma_wait3A_90 = tpu.memref_slice %arg4[%dma_wait3A_88, %add3A_46, %dma_wait3A_89] : memref<4x8192x1024xf32, #tpu.memory_space<hbm>> -> memref<1x8x1024xf32, #tpu.memory_space<hbm>>
    %dma_wait3A_91 = tpu.memref_squeeze %dma_wait3A_90 : memref<1x8x1024xf32, #tpu.memory_space<hbm>> -> memref<8x1024xf32, #tpu.memory_space<hbm>>
    %dma_wait3A_92 = arith.constant 0 : i32
    %dma_wait3A_93 = tpu.memref_slice %arg4[%dma_wait3A_88, %add3A_46, %dma_wait3A_92] : memref<4x8192x1024xf32, #tpu.memory_space<hbm>> -> memref<1x8x1024xf32, #tpu.memory_space<hbm>>
    %dma_wait3A_94 = tpu.memref_squeeze %dma_wait3A_93 : memref<1x8x1024xf32, #tpu.memory_space<hbm>> -> memref<8x1024xf32, #tpu.memory_space<hbm>>
    tpu.wait_dma2 semaphore(%arg32 : memref<!tpu.dma_semaphore, #tpu.memory_space<semaphore_mem>>) src(%arg14 : memref<8x1024xf32, #tpu.memory_space<vmem>>) dst(%dma_wait3A_94 : memref<8x1024xf32, #tpu.memory_space<hbm>>)
    %dma_wait3A_95 = arith.constant 3 : i32
    %dma_wait3A_96 = arith.constant 0 : i32
    %dma_wait3A_97 = tpu.memref_slice %arg2[%dma_wait3A_95, %add3A_46, %dma_wait3A_96] : memref<4x8192x1024xf32, #tpu.memory_space<hbm>> -> memref<1x8x1024xf32, #tpu.memory_space<hbm>>
    %dma_wait3A_98 = tpu.memref_squeeze %dma_wait3A_97 : memref<1x8x1024xf32, #tpu.memory_space<hbm>> -> memref<8x1024xf32, #tpu.memory_space<hbm>>
    %dma_wait3A_99 = arith.constant 0 : i32
    %dma_wait3A_100 = tpu.memref_slice %arg2[%dma_wait3A_95, %add3A_46, %dma_wait3A_99] : memref<4x8192x1024xf32, #tpu.memory_space<hbm>> -> memref<1x8x1024xf32, #tpu.memory_space<hbm>>
    %dma_wait3A_101 = tpu.memref_squeeze %dma_wait3A_100 : memref<1x8x1024xf32, #tpu.memory_space<hbm>> -> memref<8x1024xf32, #tpu.memory_space<hbm>>
    tpu.wait_dma2 semaphore(%arg20 : memref<!tpu.dma_semaphore, #tpu.memory_space<semaphore_mem>>) src(%dma_wait3A_101 : memref<8x1024xf32, #tpu.memory_space<hbm>>) dst(%arg10 : memref<8x1024xf32, #tpu.memory_space<vmem>>)
    %dma_wait3A_102 = arith.constant 0 : i32
    %dma_wait3A_103 = tpu.memref_slice %arg3[%add3A_46, %dma_wait3A_102] : memref<8192x1024xf32, #tpu.memory_space<hbm>> -> memref<8x1024xf32, #tpu.memory_space<hbm>>
    %dma_wait3A_104 = arith.constant 0 : i32
    %dma_wait3A_105 = tpu.memref_slice %arg3[%add3A_46, %dma_wait3A_104] : memref<8192x1024xf32, #tpu.memory_space<hbm>> -> memref<8x1024xf32, #tpu.memory_space<hbm>>
    tpu.wait_dma2 semaphore(%arg15 : memref<!tpu.dma_semaphore, #tpu.memory_space<semaphore_mem>>) src(%dma_wait3A_105 : memref<8x1024xf32, #tpu.memory_space<hbm>>) dst(%arg5 : memref<8x1024xf32, #tpu.memory_space<vmem>>)
    %dma_wait3A_106 = arith.constant 0 : i32
    %dma_wait3A_107 = tpu.memref_slice %arg3[%add3A_46, %dma_wait3A_106] : memref<8192x1024xf32, #tpu.memory_space<hbm>> -> memref<8x1024xf32, #tpu.memory_space<hbm>>
    %dma_wait3A_108 = arith.constant 0 : i32
    %dma_wait3A_109 = tpu.memref_slice %arg3[%add3A_46, %dma_wait3A_108] : memref<8192x1024xf32, #tpu.memory_space<hbm>> -> memref<8x1024xf32, #tpu.memory_space<hbm>>
    tpu.wait_dma2 semaphore(%arg16 : memref<!tpu.dma_semaphore, #tpu.memory_space<semaphore_mem>>) src(%dma_wait3A_109 : memref<8x1024xf32, #tpu.memory_space<hbm>>) dst(%arg6 : memref<8x1024xf32, #tpu.memory_space<vmem>>)
    return
  }
}

</mosaic_0001>

<sc_bundles>
// kernel: kernel.3.cloned.1.call-start
scs
__scs_entry_jumppad:
0x0: {  	(pc) =	sbr.rel $0x88, $3  }
0x1: {  	(tag) =	ssettag $0x0;
	lr =	simm.s32 $0x1  }
0x2: {  	[smem:$0x3F9F] =	sst lr;
	_ =	strace $0xD0000000  }
0x3: {  	_ = 	snop  }
0x4: {  	_ = 	snop  }
0x5: {  	_ = 	snop  }
0x6: {  	_ = 	snop  }
0x7: {  	_ = 	snop  }
__scs_overlays_trampoline_lowered:
0x8: {  	[smem:$0x3FAE] =	sst s0  }
0x9: {  	[smem:$0x3FAF] =	sst s1  }
0xa: {  	[smem:$0x3FB0] =	sst s2  }
0xb: {  	[smem:$0x3FB1] =	sst s3  }
0xc: {  	[smem:$0x3FB2] =	sst s4  }
0xd: {  	[smem:$0x3FB3] =	sst s5  }
0xe: {  	[smem:$0x3FB4] =	sst s6  }
0xf: {  	[smem:$0x3FB5] =	sst s7  }
0x10: {  	[smem:$0x3FB6] =	sst s8  }
0x11: {  	[smem:$0x3FB7] =	sst s9;
	s0 =	simm.s32 @!p0 $0x0  }
0x12: {  	s1 =	sld [smem:$0x3F9D];
	s0 =	simm.s32 @p0 $0x1  }
0x13: {  	[smem:$0x3FB8] =	sst s0;
	s0 =	simm.s32 @!p1 $0x0  }
0x14: {  	s2 =	sld [smem:$0x3F9C];
	s0 =	simm.s32 @p1 $0x1  }
0x15: {  	[smem:$0x3FB9] =	sst s0;
	s0 =	simm.s32 @!p2 $0x0  }
0x16: {  	s3 =	sld [smem:$0x3FDB];
	s0 =	simm.s32 @p2 $0x1  }
0x17: {  	s4 =	simm.s32 $0x1BF5;
	[smem:$0x3FBB] =	sst s0  }
0x18: {  	s0 =	sld [smem:$0x3F9E];
	_ =	swait.ge [sflag:s4], $0x0  }
0x19: {  	s7 =	sld [smem:$0x3F9F]  }
0x1a: {  	s8 =	sadd.s32 $0xFFFFE003, lr  }
0x1b: {  	s9 =	sadd.s32 $0xFFFFFEF7, lr;
	s5 =	simm.s32 $0xFFFFFFFF;
	p2 =	slt.u32 s8, $0xFFFFF086  }
0x1c: {  	p1 =	slt.u32 s9, $0xF7A;
	s5 =	simm.s32 @!p2 $0x0  }
0x1d: {  	s5 =	simm.s32 @p1 $0x1;
	p0 =	seq.s32 s7, s2  }
0x1e: {  	s7 =	smul.u32 @!p0 $0xF7A, s2;
	p2 =	seq.s32 @!p0 s5, $0x0  }
0x1f: {  	s9 =	smul.u32 $0xF7A, s1;
	s8 =	simm.s32 @!p0 $0x1BF5;
	p2 =	por !p2, p0  }
0x20: {  	[sflag:s8] =	ssyncset.s32 @!p0 $0xFFFFF086;
	s6 =	sadd.s32 @!p0 s3, s7;
	s7 =	simm.s32 @!p0 $0x108  }
0x21: {  	s3 =	sadd.s32 s3, s9;
	s6 =	sadd.s32 @!p0 $0x88, s6;
	s7 =	simm.s32 @p2 $0x1082  }
0x22: {  	[simem:s7], [sflag:s8] =	dma.local @!p0 [hbm:s6], $0xF7A  }
0x23: {  	s9 =	sor.u32 $0xD0000000, s2;
	s6 =	simm.s32 $0x108;
	_ =	swait.ge @!p0 [sflag:s8], $0x0  }
0x24: {  	s3 =	sadd.s32 $0x88, s3;
	s6 =	simm.s32 @!p1 $0x1082;
	[sflag:s4] =	ssyncset.s32 $0xFFFFF086  }
0x25: {  	[simem:s6], [sflag:s4] =	dma.local [hbm:s3], $0xF7A  }
0x26: {  	[smem:$0x3F9F] =	sst s1;
	(tag) =	ssettag s2;
	_ =	strace s9  }
0x27: {  	s1 =	sld [smem:$0x3FAF]  }
0x28: {  	s2 =	sld [smem:$0x3FB0]  }
0x29: {  	s4 =	sld [smem:$0x3FB2]  }
0x2a: {  	p0 =	seq.s32 s5, $0x0;
	s5 =	sld [smem:$0x3FB3]  }
0x2b: {  	s6 =	sld [smem:$0x3FB4]  }
0x2c: {  	s7 =	sld [smem:$0x3FB5]  }
0x2d: {  	s3 =	simm.s32 $0x108;
	s8 =	sld [smem:$0x3FB6]  }
0x2e: {  	s3 =	simm.s32 @!p0 $0x1082;
	s9 =	sld [smem:$0x3FB7]  }
0x2f: {  	lr =	sadd.s32 s0, s3;
	s0 =	sld [smem:$0x3FAE]  }
0x30: {  	s3 =	sld [smem:$0x3FB1]  }
0x31: {  	[smem:$0x3FBA] =	sst s10  }
0x32: {  	s10 =	sld [smem:$0x3FB8];
	_ =	sdelay $0x3  }
0x33: {  	p0 =	seq.s32 s10, $0x1;
	s10 =	sld [smem:$0x3FBA];
	_ =	sdelay $0x3  }
0x34: {  	[smem:$0x3FBA] =	sst s10  }
0x35: {  	s10 =	sld [smem:$0x3FB9];
	_ =	sdelay $0x3  }
0x36: {  	p1 =	seq.s32 s10, $0x1;
	s10 =	sld [smem:$0x3FBA];
	_ =	sdelay $0x3  }
0x37: {  	[smem:$0x3FBA] =	sst s10  }
0x38: {  	s10 =	sld [smem:$0x3FBB]  }
0x39: {  	_ = 	snop;
	(pc) =	sbr.ind lr, $3  }
0x3a: {  	_ = 	snop  }
0x3b: {  	_ = 	snop  }
0x3c: {  	p2 =	seq.s32 s10, $0x1;
	s10 =	sld [smem:$0x3FBA]  }
0x3d: {  	_ =	shalt  }
0x3e: {  	_ =	shalt  }
0x3f: {  	_ =	shalt  }
0x40: {  	_ =	shalt  }
0x41: {  	_ =	shalt  }
0x42: {  	_ =	shalt  }
0x43: {  	_ =	shalt  }
0x44: {  	_ =	shalt  }
0x45: {  	_ =	shalt  }
0x46: {  	_ =	shalt  }
0x47: {  	_ =	shalt  }
0x48: {  	_ =	shalt  }
0x49: {  	_ =	shalt  }
0x4a: {  	_ =	shalt  }
0x4b: {  	_ =	shalt  }
0x4c: {  	_ =	shalt  }
0x4d: {  	_ =	shalt  }
0x4e: {  	_ =	shalt  }
0x4f: {  	_ =	shalt  }
0x50: {  	_ =	shalt  }
0x51: {  	_ =	shalt  }
0x52: {  	_ =	shalt  }
0x53: {  	_ =	shalt  }
0x54: {  	_ =	shalt  }
0x55: {  	_ =	shalt  }
0x56: {  	_ =	shalt  }
0x57: {  	_ =	shalt  }
0x58: {  	_ =	shalt  }
0x59: {  	_ =	shalt  }
0x5a: {  	_ =	shalt  }
0x5b: {  	_ =	shalt  }
0x5c: {  	_ =	shalt  }
0x5d: {  	_ =	shalt  }
0x5e: {  	_ =	shalt  }
0x5f: {  	_ =	shalt  }
0x60: {  	_ =	shalt  }
0x61: {  	_ =	shalt  }
0x62: {  	_ =	shalt  }
0x63: {  	_ =	shalt  }
0x64: {  	_ =	shalt  }
0x65: {  	_ =	shalt  }
0x66: {  	_ =	shalt  }
0x67: {  	_ =	shalt  }
0x68: {  	_ =	shalt  }
0x69: {  	_ =	shalt  }
0x6a: {  	_ =	shalt  }
0x6b: {  	_ =	shalt  }
0x6c: {  	_ =	shalt  }
0x6d: {  	_ =	shalt  }
0x6e: {  	_ =	shalt  }
0x6f: {  	_ =	shalt  }
0x70: {  	_ =	shalt  }
0x71: {  	_ =	shalt  }
0x72: {  	_ =	shalt  }
0x73: {  	_ =	shalt  }
0x74: {  	_ =	shalt  }
0x75: {  	_ =	shalt  }
0x76: {  	_ =	shalt  }
0x77: {  	_ =	shalt  }
0x78: {  	_ =	shalt  }
0x79: {  	_ =	shalt  }
0x7a: {  	_ =	shalt  }
0x7b: {  	_ =	shalt  }
0x7c: {  	_ =	shalt  }
0x7d: {  	_ =	shalt  }
0x7e: {  	_ =	shalt  }
0x7f: {  	_ =	shalt  }
0x80: {  	_ =	shalt  }
0x81: {  	_ =	shalt  }
0x82: {  	_ =	shalt  }
0x83: {  	_ =	shalt  }
0x84: {  	_ =	shalt  }
0x85: {  	_ =	shalt  }
0x86: {  	_ =	shalt  }
0x87: {  	_ =	shalt  }
.Lfunc_end0:
.L_simem_size_0:
called_computation_lowered:
.L_overlay_start_0:
0x88: {  	s2 =	sld [smem:$0x3FD9]  }
0x89: {  	s3 =	sld [smem:$0x3FFE];
	_ =	sdelay $0x1  }
0x8a: {  	s1 =	srdreg.scid  }
0x8b: {  	s0 =	sand.u32 $0x1, s1  }
0x8c: {  	s18 =	sshll.u32 s0, $0xA;
	s2 =	sadd.s32 s3, s2  }
0x8d: {  	s2 =	sadd.s32 s2, s18  }
0x8e: {  	[smem:$0x3FC6] =	sst s2  }
0x8f: {  	_ = 	snop  }
0x90: {  	s2 =	sld [smem:$0x3FC9]  }
0x91: {  	s19 =	sld [smem:$0x3FC8]  }
0x92: {  	s4 =	sld [smem:$0x3FD0];
	(tm) =	ssettm $0x1  }
0x93: {  	s5 =	sld [smem:$0x3FFB];
	_ =	sdelay $0x3  }
0x94: {  	_ =	strace s5  }
0x95: {  	s5 =	sld [smem:$0x3FFC];
	_ =	sdelay $0x3  }
0x96: {  	_ =	strace s5  }
0x97: {  	s5 =	sld [smem:$0x3FFD];
	_ =	sdelay $0x3  }
0x98: {  	_ =	strace s5  }
0x99: {  	_ =	strace $0x8FFFFFFF  }
0x9a: {  	s20 =	sld [smem:$0x3FDB];
	_ =	sdelay $0x1  }
0x9b: {  	s6 =	simm.s32 $_scs_section_size  }
0x9c: {  	s7 =	simm.s32 $_size__tile_overlayer_lowered;
	s8 =	simm.s32 $_tile_overlayer_lowered  }
0x9d: {  	s23 =	simm.s32 $0x1BFF;
	s22 =	sshll.u32 s8, $0x1;
	s5 =	sadd.s32 s6, s20  }
0x9e: {  	s9 =	simm.s32 $0x0;
	s21 =	sshll.u32 s7, $0x1;
	s7 =	sadd.s32 s22, s5  }
0x9f: {  	[timem:s9], [sflag:s23] =	dma.local [hbm:s7], s21  }
0xa0: {  	_ =	swait.ge [sflag:s23], s21  }
0xa1: {  	s6 =	ssub.s32 $0x0, s21;
	[sflag:s23] =	ssyncset.done $0x0  }
0xa2: {  	[sflag:s23] =	ssyncadd.s32 s6;
	_ =	sdelay $0x1  }
0xa3: {  	s24 =	simm.s32 $0x1B8B  }
0xa4: {  	_ =	swait.ge [sflag:s24], $0x1  }
0xa5: {  	[sflag:s24] =	ssyncset.done $0x0  }
0xa6: {  	s25 =	simm.s32 $0x1B8E;
	[sflag:s24] =	ssyncadd.s32 $0xFFFFFFFF  }
0xa7: {  	s26 =	simm.s32 $execute0_lowered;
	[smem:$0x3FD2] =	sst s25  }
0xa8: {  	s6 =	sshll.u32 s26, $0x1;
	_ =	strace $0x80000046;
	[dreg:$0x1] =	wrdreg $0xFFFFFFFF  }
0xa9: {  	s28 =	simm.s32 $_size_execute0_lowered;
	s5 =	sadd.s32 s5, s6;
	[dreg:$0x0] =	wrdreg $0x0  }
0xaa: {  	s6 =	sshll.u32 s28, $0x1;
	[dreg:$0x2] =	wrdreg s5  }
0xab: {  	[dreg:$0x3] =	wrdreg s6  }
0xac: {  	[dreg:$0x4] =	wrdreg $0xC0  }
0xad: {  	_ =	task [dreg:s9], $0x5FFFF  }
0xae: {  	[dreg:$0x1] =	wrdreg $0xFFFFFFFF  }
0xaf: {  	[dreg:$0x0] =	wrdreg $0x60  }
0xb0: {  	[dreg:$0x2] =	wrdreg s2  }
0xb1: {  	[dreg:$0x3] =	wrdreg s19  }
0xb2: {  	[dreg:$0x4] =	wrdreg s4  }
0xb3: {  	[dreg:$0x5] =	wrdreg $0x9  }
0xb4: {  	_ =	task.clear_ibuf [dreg:s9], $0x6FFFF;
	_ =	strace $0x90000046  }
0xb5: {  	s29 =	simm.s32 $0x9;
	_ =	strace $0x80000048  }
0xb6: {  	_ =	swait.ge [sflag:s29], $0x1  }
0xb7: {  	[sflag:s29] =	ssyncadd.s32 $0xFFFFFFFF  }
0xb8: {  	_ =	strace $0x90000048  }
0xb9: {  	_ =	sfence  }
0xba: {  	s30 =	sld [smem:$0x0];
	_ =	sdelay $0x2  }
0xbb: {  	s31 =	sshll.u32 s1, $0xD;
	s1 =	sshrl.u32 s1, $0x2  }
0xbc: {  	s3 =	sand.u32 $0x4000, s31;
	s1 =	sadd.s32 s1, s30  }
0xbd: {  	s0 =	sor.u32 s3, s0;
	s1 =	sshll.u32 s1, $0x11  }
0xbe: {  	s0 =	sor.u32 s1, s0  }
0xbf: {  	s0 =	sadd.s32 $0x8F2B, s0  }
0xc0: {  	[sflag:s0] =	ssyncadd.remote.s32 $0x1  }
0xc1: {  	_ =	sfence.sel $0xFFFF  }
0xc2: {  	[dreg:$0x0] =	wrdreg $0xFFFFFFFF;
	(pc) =	sbr.abs _section_cstart, $3  }
0xc3: {  	[dreg:$0x1] =	wrdreg $0xFFFFFFFF  }
0xc4: {  	_ =	task.clear_ibuf [dreg:s9], $0x2FFFF;
	_ =	strace $0x9FFFFFFF  }
0xc5: {  	(tm) =	ssettm $0x7FFFFFFF  }
tec
execute0_lowered:
.L_overlay_start_1:
0x0: {  	(tag) =	ssettag $0x1  }
0x1: {  	s31 =	rddreg [dreg:$0x0]  }
0x2: {  	s4 =	rddreg [dreg:$0x1]  }
0x3: {  	s0 =	srdreg.scid;
	s3 =	rddreg [dreg:$0x2]  }
0x4: {  	s1 =	stileid.u32;
	s5 =	simm.s32 $0x0;
	s8 =	simm.s32 $0x3  }
0x5: {  	s14 =	simm.s32 $0x4;
	s9 =	simm.s32 $0x6;
	s0 =	sand.u32 $0x1, s0  }
0x6: {  	s17 =	simm.s32 $0xC;
	s1 =	sshll.u32 s1, $0x9;
	s2 =	sshll.u32 s0, $0x8  }
0x7: {  	s18 =	simm.s32 $0x9;
	[smem:$0x7FF] =	sst s5;
	s6 =	sor.u32 s2, s1  }
0x8: {  	s10 =	sadd.s32 $0x100000, s31;
	s12 =	sadd.s32 $0x200000, s31;
	s2 =	sshll.u32 s6, $0x7  }
0x9: {  	_ =	strace $0x80000047;
	[dreg:$0x4] =	wrdreg s6;
	s20 =	sadd.s32 s4, s2  }
0xa: {  	s13 =	sadd.s32 $0x300000, s31;
	s21 =	sadd.s32 s2, s10;
	[dreg:$0x5] =	wrdreg s20  }
0xb: {  	s0 =	ssub.s32 $0x2, s0;
	s22 =	sadd.s32 s2, s12;
	[dreg:$0x8] =	wrdreg s21  }
0xc: {  	s19 =	sshrl.u32 s0, $0x1;
	s23 =	sadd.s32 s2, s13;
	[dreg:$0x9] =	wrdreg s22  }
0xd: {  	s28 =	sshrl.u32 s6, $0x3;
	s7 =	sadd.s32 s31, s2;
	[dreg:$0xa] =	wrdreg s23  }
0xe: {  	s0 =	ssub.s32 s0, s19;
	s30 =	sor.u32 $0x2, s28;
	[dreg:$0x7] =	wrdreg s7  }
0xf: {  	s16 =	sor.u32 $0xF8, s6;
	s0 =	smax.u32 s0, $0x1;
	[dreg:$0xf] =	wrdreg s30  }
0x10: {  	s19 =	sadd.s32 $0x100000, s3;
	s1 =	sadd.s32 $0x400, s20;
	[dreg:$0x11] =	wrdreg s0  }
0x11: {  	s6 =	simm.s32 $0xA000;
	s24 =	sadd.s32 $0x400, s7;
	[dreg:$0x6] =	wrdreg s1  }
0x12: {  	s2 =	simm.s32 $0x0;
	s25 =	sadd.s32 $0x100400, s7;
	[dreg:$0xb] =	wrdreg s24  }
0x13: {  	s26 =	sadd.s32 $0x200400, s7;
	s21 =	sadd.s32 $0x200000, s3;
	[dreg:$0xc] =	wrdreg s25  }
0x14: {  	s29 =	sadd.s32 $0x300400, s7;
	s20 =	simm.s32 $0xD;
	[dreg:$0xd] =	wrdreg s26  }
0x15: {  	s22 =	simm.s32 $0xA;
	s23 =	simm.s32 $0xE;
	[dreg:$0xe] =	wrdreg s29  }
0x16: {  	s1 =	sor.u32 $0x3, s28;
	s26 =	sadd.s32 $0x300000, s3;
	s25 =	simm.s32 $0x5  }
0x17: {  	s3 =	simm.s32 $0x2;
	[dreg:$0x10] =	wrdreg s1;
	s1 =	simm.s32 $0x1  }
.LBB2_1:
0x18: {  	[dreg:$0x12] =	wrdreg s2  }
0x19: {  	s0 =	rddreg [dreg:$0x5]  }
0x1a: {  	[tilespmem:s5], [sflag:$0x1] =	stream.linear.gather [hbm4b:s0+s5], $0x2000, $0x38;
	[tilespmem:$0x14000] =	vst v63  }
0x1b: {  	s29 =	rddreg [dreg:$0x6];
	s30 =	simm.s32 $0x2000  }
0x1c: {  	[tilespmem:s30], [sflag:$0x2] =	stream.linear.gather [hbm4b:s29+s5], $0x2000, $0x38;
	[tilespmem:$0x14000] =	vst v63  }
0x1d: {  	s7 =	rddreg [dreg:$0x7];
	s11 =	simm.s32 $0x4000  }
0x1e: {  	[tilespmem:s11], [sflag:$0x3] =	stream.linear.gather [hbm4b:s7+s5], $0x2000, $0x38;
	[tilespmem:$0x14000] =	vst v63  }
0x1f: {  	s15 =	rddreg [dreg:$0x8];
	s24 =	simm.s32 $0x6000  }
0x20: {  	[tilespmem:s24], [sflag:$0x4] =	stream.linear.gather [hbm4b:s15+s5], $0x2000, $0x38;
	[tilespmem:$0x14000] =	vst v63  }
0x21: {  	s28 =	rddreg [dreg:$0x9];
	s29 =	simm.s32 $0x8000  }
0x22: {  	[tilespmem:s29], [sflag:$0x5] =	stream.linear.gather [hbm4b:s28+s5], $0x2000, $0x38;
	[tilespmem:$0x14000] =	vst v63  }
0x23: {  	s30 =	rddreg [dreg:$0xa];
	s24 =	simm.s32 $0x0  }
0x24: {  	[tilespmem:s6], [sflag:$0x6] =	stream.linear.gather [hbm4b:s30+s5], $0x2000, $0x38;
	[tilespmem:$0x14000] =	vst v63  }
.LBB2_2:
0x25: {  	_ =	swait.ge [sflag:s1], $0x2000  }
0x26: {  	[sflag:s1] =	ssyncset.done $0x0  }
0x27: {  	s6 =	smov.u32 s4;
	s0 =	sshll.u32 s24, $0x4;
	[sflag:s1] =	ssyncadd.s32 $0xFFFFE000  }
0x28: {  	p0 =	seq.s32 s24, $0x0;
	s2 =	rddreg [dreg:$0x4];
	_ =	swait.ge [sflag:s8], $0x2000  }
0x29: {  	s4 =	smov.u32 s31;
	s15 =	sor.u32 s2, s0;
	[sflag:s8] =	ssyncset.done $0x0  }
0x2a: {  	s2 =	simm.s32 @!p0 $0xF;
	s0 =	sor.u32 @!p0 $0x8, s15;
	[sflag:s8] =	ssyncadd.s32 $0xFFFFE000  }
0x2b: {  	s7 =	simm.s32 $0x0;
	s0 =	smin.u32 @!p0 s0, s16;
	_ =	swait.ge @!p0 [sflag:s2], $0x2000  }
0x2c: {  	s11 =	sshll.u32 s24, $0x1;
	s29 =	sshll.u32 @!p0 s0, $0x7;
	[sflag:s2] =	ssyncset.done @!p0 $0x0  }
0x2d: {  	s0 =	sadd.s32 @!p0 s31, s29;
	[sflag:s2] =	ssyncadd.s32 @!p0 $0xFFFFE000;
	s2 =	rddreg [dreg:$0xb]  }
0x2e: {  	s28 =	simm.s32 $0x0;
	s31 =	simm.s32 $0xC000;
	s0 =	smov.u32 @p0 s2  }
0x2f: {  	[tilespmem:s31], [sflag:$0x7] =	stream.linear.gather [hbm4b:s0+s7], $0x2000, $0x38;
	[tilespmem:$0x14000] =	vst v63  }
.LBB2_3:
0x30: {  	s30 =	sshra.s32 s7, $0x2  }
0x31: {  	v0 =	vld [tilespmem:s30+$0x70]  }
0x32: {  	v1 =	vld [tilespmem:s30+$0x0]  }
0x33: {  	v2 =	vld [tilespmem:s30+$0x10]  }
0x34: {  	v3 =	vld [tilespmem:s30+$0x20]  }
0x35: {  	v4 =	vld [tilespmem:s30+$0x30]  }
0x36: {  	v5 =	vld [tilespmem:s30+$0x40]  }
0x37: {  	v6 =	vld [tilespmem:s30+$0x50]  }
0x38: {  	[tilespmem:s30+$0x4070] =	vst.add.f32.msk $0xffff, v0  }
0x39: {  	v0 =	vld [tilespmem:s30+$0x60]  }
0x3a: {  	[tilespmem:s30+$0x4000] =	vst.add.f32.msk $0xffff, v1  }
0x3b: {  	[tilespmem:s30+$0x4010] =	vst.add.f32.msk $0xffff, v2  }
0x3c: {  	[tilespmem:s30+$0x4020] =	vst.add.f32.msk $0xffff, v3  }
0x3d: {  	[tilespmem:s30+$0x4030] =	vst.add.f32.msk $0xffff, v4  }
0x3e: {  	[tilespmem:s30+$0x4040] =	vst.add.f32.msk $0xffff, v5  }
0x3f: {  	s31 =	simm.s32 $0x0;
	s0 =	sadd.s32 $0x1000, s7;
	[tilespmem:s30+$0x4050] =	vst.add.f32.msk $0xffff, v6  }
.LBB2_4:
0x40: {  	s31 =	sadd.s32 $0x8, s31;
	[tilespmem:s30+$0x4060] =	vst.add.f32.msk $0xffff, v0;
	s30 =	sshra.s32 s0, $0x2  }
0x41: {  	v0 =	vld [tilespmem:s30+$0x70];
	p1 =	slt.u32 s31, $0x38  }
0x42: {  	v1 =	vld [tilespmem:s30+$0x0]  }
0x43: {  	v2 =	vld [tilespmem:s30+$0x10]  }
0x44: {  	v3 =	vld [tilespmem:s30+$0x20]  }
0x45: {  	v4 =	vld [tilespmem:s30+$0x30]  }
0x46: {  	[tilespmem:s30+$0x4070] =	vst.add.f32.msk $0xffff, v0  }
0x47: {  	v5 =	vld [tilespmem:s30+$0x40]  }
0x48: {  	v6 =	vld [tilespmem:s30+$0x50]  }
0x49: {  	v0 =	vld [tilespmem:s30+$0x60]  }
0x4a: {  	[tilespmem:s30+$0x4000] =	vst.add.f32.msk $0xffff, v1  }
.Ltmp0:
0x4b: {  	[tilespmem:s30+$0x4010] =	vst.add.f32.msk $0xffff, v2;
	(pc) =	sbr.rel @p1 .LBB2_4-.Ltmp0, $4  }
0x4c: {  	[tilespmem:s30+$0x4020] =	vst.add.f32.msk $0xffff, v3  }
0x4d: {  	[tilespmem:s30+$0x4030] =	vst.add.f32.msk $0xffff, v4  }
0x4e: {  	[tilespmem:s30+$0x4040] =	vst.add.f32.msk $0xffff, v5  }
0x4f: {  	s0 =	sadd.s32 $0x1000, s0;
	[tilespmem:s30+$0x4050] =	vst.add.f32.msk $0xffff, v6  }
0x50: {  	s28 =	sadd.s32 $0x1, s28  }
0x51: {  	p1 =	sne.s32 s28, $0x8  }
.Ltmp1:
0x52: {  	_ = 	snop;
	(pc) =	sbr.rel @p1 .LBB2_3-.Ltmp1, $2  }
0x53: {  	_ =	sdelay $0x2  }
0x54: {  	[tilespmem:s30+$0x4060] =	vst.add.f32.msk $0xffff, v0;
	s7 =	sadd.s32 $0x200, s7  }
0x55: {  	s7 =	sshll.u32 s15, $0x7;
	s0 =	rddreg [dreg:$0x2]  }
0x56: {  	s2 =	simm.s32 $0x4000;
	s0 =	sadd.s32 s0, s7  }
0x57: {  	[hbm4b:s0+s5] =	stream.linear.scatter [tilespmem:s2], [sflag:$0xB], $0x2000, $0x38;
	[tilespmem:$0x14000] =	vst v63  }
0x58: {  	_ =	swait.ge [sflag:s14], $0x2000  }
0x59: {  	[sflag:s14] =	ssyncset.done $0x0  }
0x5a: {  	s0 =	simm.s32 @!p0 $0x10;
	[sflag:s14] =	ssyncadd.s32 $0xFFFFE000  }
0x5b: {  	_ =	swait.ge @!p0 [sflag:s0], $0x2000  }
0x5c: {  	s28 =	simm.s32 $0x0;
	[sflag:s0] =	ssyncset.done @!p0 $0x0  }
0x5d: {  	s2 =	sadd.s32 @!p0 s29, s10;
	[sflag:s0] =	ssyncadd.s32 @!p0 $0xFFFFE000;
	s0 =	rddreg [dreg:$0xc]  }
0x5e: {  	s31 =	simm.s32 $0xE000;
	s30 =	simm.s32 $0x0;
	s2 =	smov.u32 @p0 s0  }
0x5f: {  	[tilespmem:s31], [sflag:$0x8] =	stream.linear.gather [hbm4b:s2+s28], $0x2000, $0x38;
	[tilespmem:$0x14000] =	vst v63  }
.LBB2_7:
0x60: {  	s31 =	sshra.s32 s28, $0x2  }
0x61: {  	v0 =	vld [tilespmem:s31+$0x70]  }
0x62: {  	v1 =	vld [tilespmem:s31+$0x0]  }
0x63: {  	v2 =	vld [tilespmem:s31+$0x10]  }
0x64: {  	v3 =	vld [tilespmem:s31+$0x20]  }
0x65: {  	v4 =	vld [tilespmem:s31+$0x30]  }
0x66: {  	v5 =	vld [tilespmem:s31+$0x40]  }
0x67: {  	v6 =	vld [tilespmem:s31+$0x50]  }
0x68: {  	[tilespmem:s31+$0x6070] =	vst.add.f32.msk $0xffff, v0  }
0x69: {  	v0 =	vld [tilespmem:s31+$0x60]  }
0x6a: {  	[tilespmem:s31+$0x6000] =	vst.add.f32.msk $0xffff, v1  }
0x6b: {  	[tilespmem:s31+$0x6010] =	vst.add.f32.msk $0xffff, v2  }
0x6c: {  	[tilespmem:s31+$0x6020] =	vst.add.f32.msk $0xffff, v3  }
0x6d: {  	[tilespmem:s31+$0x6030] =	vst.add.f32.msk $0xffff, v4  }
0x6e: {  	[tilespmem:s31+$0x6040] =	vst.add.f32.msk $0xffff, v5  }
0x6f: {  	s0 =	simm.s32 $0x0;
	s2 =	sadd.s32 $0x1000, s28;
	[tilespmem:s31+$0x6050] =	vst.add.f32.msk $0xffff, v6  }
.LBB2_8:
0x70: {  	s0 =	sadd.s32 $0x8, s0;
	[tilespmem:s31+$0x6060] =	vst.add.f32.msk $0xffff, v0;
	s31 =	sshra.s32 s2, $0x2  }
0x71: {  	v0 =	vld [tilespmem:s31+$0x70];
	p1 =	slt.u32 s0, $0x38  }
0x72: {  	v1 =	vld [tilespmem:s31+$0x0]  }
0x73: {  	v2 =	vld [tilespmem:s31+$0x10]  }
0x74: {  	v3 =	vld [tilespmem:s31+$0x20]  }
0x75: {  	v4 =	vld [tilespmem:s31+$0x30]  }
0x76: {  	[tilespmem:s31+$0x6070] =	vst.add.f32.msk $0xffff, v0  }
0x77: {  	v5 =	vld [tilespmem:s31+$0x40]  }
0x78: {  	v6 =	vld [tilespmem:s31+$0x50]  }
0x79: {  	v0 =	vld [tilespmem:s31+$0x60]  }
0x7a: {  	[tilespmem:s31+$0x6000] =	vst.add.f32.msk $0xffff, v1  }
.Ltmp2:
0x7b: {  	[tilespmem:s31+$0x6010] =	vst.add.f32.msk $0xffff, v2;
	(pc) =	sbr.rel @p1 .LBB2_8-.Ltmp2, $4  }
0x7c: {  	[tilespmem:s31+$0x6020] =	vst.add.f32.msk $0xffff, v3  }
0x7d: {  	[tilespmem:s31+$0x6030] =	vst.add.f32.msk $0xffff, v4  }
0x7e: {  	[tilespmem:s31+$0x6040] =	vst.add.f32.msk $0xffff, v5  }
0x7f: {  	s2 =	sadd.s32 $0x1000, s2;
	[tilespmem:s31+$0x6050] =	vst.add.f32.msk $0xffff, v6  }
0x80: {  	s30 =	sadd.s32 $0x1, s30  }
0x81: {  	p1 =	sne.s32 s30, $0x8  }
.Ltmp3:
0x82: {  	_ = 	snop;
	(pc) =	sbr.rel @p1 .LBB2_7-.Ltmp3, $2  }
0x83: {  	_ =	sdelay $0x2  }
0x84: {  	[tilespmem:s31+$0x6060] =	vst.add.f32.msk $0xffff, v0;
	s28 =	sadd.s32 $0x200, s28  }
0x85: {  	s0 =	sadd.s32 s7, s19;
	s2 =	simm.s32 $0x6000  }
0x86: {  	[hbm4b:s0+s5] =	stream.linear.scatter [tilespmem:s2], [sflag:$0xC], $0x2000, $0x38;
	[tilespmem:$0x14000] =	vst v63  }
0x87: {  	_ =	swait.ge [sflag:s25], $0x2000  }
0x88: {  	[sflag:s25] =	ssyncset.done $0x0  }
0x89: {  	s0 =	simm.s32 @!p0 $0x11;
	[sflag:s25] =	ssyncadd.s32 $0xFFFFE000  }
0x8a: {  	_ =	swait.ge @!p0 [sflag:s0], $0x2000  }
0x8b: {  	s28 =	simm.s32 $0x0;
	[sflag:s0] =	ssyncset.done @!p0 $0x0  }
0x8c: {  	s2 =	sadd.s32 @!p0 s29, s12;
	[sflag:s0] =	ssyncadd.s32 @!p0 $0xFFFFE000;
	s0 =	rddreg [dreg:$0xd]  }
0x8d: {  	s31 =	simm.s32 $0x10000;
	s30 =	simm.s32 $0x0;
	s2 =	smov.u32 @p0 s0  }
0x8e: {  	[tilespmem:s31], [sflag:$0x9] =	stream.linear.gather [hbm4b:s2+s28], $0x2000, $0x38;
	[tilespmem:$0x14000] =	vst v63  }
.LBB2_11:
0x8f: {  	s31 =	sshra.s32 s28, $0x2  }
0x90: {  	v0 =	vld [tilespmem:s31+$0x70]  }
0x91: {  	v1 =	vld [tilespmem:s31+$0x0]  }
0x92: {  	v2 =	vld [tilespmem:s31+$0x10]  }
0x93: {  	v3 =	vld [tilespmem:s31+$0x20]  }
0x94: {  	v4 =	vld [tilespmem:s31+$0x30]  }
0x95: {  	v5 =	vld [tilespmem:s31+$0x40]  }
0x96: {  	v6 =	vld [tilespmem:s31+$0x50]  }
0x97: {  	[tilespmem:s31+$0x8070] =	vst.add.f32.msk $0xffff, v0  }
0x98: {  	v0 =	vld [tilespmem:s31+$0x60]  }
0x99: {  	[tilespmem:s31+$0x8000] =	vst.add.f32.msk $0xffff, v1  }
0x9a: {  	[tilespmem:s31+$0x8010] =	vst.add.f32.msk $0xffff, v2  }
0x9b: {  	[tilespmem:s31+$0x8020] =	vst.add.f32.msk $0xffff, v3  }
0x9c: {  	[tilespmem:s31+$0x8030] =	vst.add.f32.msk $0xffff, v4  }
0x9d: {  	[tilespmem:s31+$0x8040] =	vst.add.f32.msk $0xffff, v5  }
0x9e: {  	s0 =	simm.s32 $0x0;
	s2 =	sadd.s32 $0x1000, s28;
	[tilespmem:s31+$0x8050] =	vst.add.f32.msk $0xffff, v6  }
.LBB2_12:
0x9f: {  	s0 =	sadd.s32 $0x8, s0;
	[tilespmem:s31+$0x8060] =	vst.add.f32.msk $0xffff, v0;
	s31 =	sshra.s32 s2, $0x2  }
0xa0: {  	v0 =	vld [tilespmem:s31+$0x70];
	p1 =	slt.u32 s0, $0x38  }
0xa1: {  	v1 =	vld [tilespmem:s31+$0x0]  }
0xa2: {  	v2 =	vld [tilespmem:s31+$0x10]  }
0xa3: {  	v3 =	vld [tilespmem:s31+$0x20]  }
0xa4: {  	v4 =	vld [tilespmem:s31+$0x30]  }
0xa5: {  	[tilespmem:s31+$0x8070] =	vst.add.f32.msk $0xffff, v0  }
0xa6: {  	v5 =	vld [tilespmem:s31+$0x40]  }
0xa7: {  	v6 =	vld [tilespmem:s31+$0x50]  }
0xa8: {  	v0 =	vld [tilespmem:s31+$0x60]  }
0xa9: {  	[tilespmem:s31+$0x8000] =	vst.add.f32.msk $0xffff, v1  }
.Ltmp4:
0xaa: {  	[tilespmem:s31+$0x8010] =	vst.add.f32.msk $0xffff, v2;
	(pc) =	sbr.rel @p1 .LBB2_12-.Ltmp4, $4  }
0xab: {  	[tilespmem:s31+$0x8020] =	vst.add.f32.msk $0xffff, v3  }
0xac: {  	[tilespmem:s31+$0x8030] =	vst.add.f32.msk $0xffff, v4  }
0xad: {  	[tilespmem:s31+$0x8040] =	vst.add.f32.msk $0xffff, v5  }
0xae: {  	s2 =	sadd.s32 $0x1000, s2;
	[tilespmem:s31+$0x8050] =	vst.add.f32.msk $0xffff, v6  }
0xaf: {  	s30 =	sadd.s32 $0x1, s30  }
0xb0: {  	p1 =	sne.s32 s30, $0x8  }
.Ltmp5:
0xb1: {  	_ = 	snop;
	(pc) =	sbr.rel @p1 .LBB2_11-.Ltmp5, $2  }
0xb2: {  	_ =	sdelay $0x2  }
0xb3: {  	[tilespmem:s31+$0x8060] =	vst.add.f32.msk $0xffff, v0;
	s28 =	sadd.s32 $0x200, s28  }
0xb4: {  	s0 =	sadd.s32 s7, s21;
	s2 =	simm.s32 $0x8000  }
0xb5: {  	[hbm4b:s0+s5] =	stream.linear.scatter [tilespmem:s2], [sflag:$0xD], $0x2000, $0x38;
	[tilespmem:$0x14000] =	vst v63  }
0xb6: {  	_ =	swait.ge [sflag:s9], $0x2000  }
0xb7: {  	[sflag:s9] =	ssyncset.done $0x0  }
0xb8: {  	s0 =	simm.s32 @!p0 $0x12;
	[sflag:s9] =	ssyncadd.s32 $0xFFFFE000  }
0xb9: {  	s28 =	simm.s32 $0x0;
	s30 =	simm.s32 $0x12000;
	_ =	swait.ge @!p0 [sflag:s0], $0x2000  }
0xba: {  	s31 =	smov.u32 s4;
	s4 =	smov.u32 s6;
	[sflag:s0] =	ssyncset.done @!p0 $0x0  }
0xbb: {  	s2 =	sadd.s32 @!p0 s29, s13;
	[sflag:s0] =	ssyncadd.s32 @!p0 $0xFFFFE000;
	s0 =	rddreg [dreg:$0xe]  }
0xbc: {  	s6 =	simm.s32 $0xA000;
	s29 =	simm.s32 $0x0;
	s2 =	smov.u32 @p0 s0  }
0xbd: {  	[tilespmem:s30], [sflag:$0xA] =	stream.linear.gather [hbm4b:s2+s28], $0x2000, $0x38;
	[tilespmem:$0x14000] =	vst v63  }
.LBB2_15:
0xbe: {  	s30 =	sshra.s32 s28, $0x2  }
0xbf: {  	v0 =	vld [tilespmem:s30+$0x70]  }
0xc0: {  	v1 =	vld [tilespmem:s30+$0x0]  }
0xc1: {  	v2 =	vld [tilespmem:s30+$0x10]  }
0xc2: {  	v3 =	vld [tilespmem:s30+$0x20]  }
0xc3: {  	v4 =	vld [tilespmem:s30+$0x30]  }
0xc4: {  	v5 =	vld [tilespmem:s30+$0x40]  }
0xc5: {  	v6 =	vld [tilespmem:s30+$0x50]  }
0xc6: {  	[tilespmem:s30+$0xA070] =	vst.add.f32.msk $0xffff, v0  }
0xc7: {  	v0 =	vld [tilespmem:s30+$0x60]  }
0xc8: {  	[tilespmem:s30+$0xA000] =	vst.add.f32.msk $0xffff, v1  }
0xc9: {  	[tilespmem:s30+$0xA010] =	vst.add.f32.msk $0xffff, v2  }
0xca: {  	[tilespmem:s30+$0xA020] =	vst.add.f32.msk $0xffff, v3  }
0xcb: {  	[tilespmem:s30+$0xA030] =	vst.add.f32.msk $0xffff, v4  }
0xcc: {  	[tilespmem:s30+$0xA040] =	vst.add.f32.msk $0xffff, v5  }
0xcd: {  	s0 =	simm.s32 $0x0;
	s2 =	sadd.s32 $0x1000, s28;
	[tilespmem:s30+$0xA050] =	vst.add.f32.msk $0xffff, v6  }
.LBB2_16:
0xce: {  	s0 =	sadd.s32 $0x8, s0;
	[tilespmem:s30+$0xA060] =	vst.add.f32.msk $0xffff, v0;
	s30 =	sshra.s32 s2, $0x2  }
0xcf: {  	v0 =	vld [tilespmem:s30+$0x70];
	p0 =	slt.u32 s0, $0x38  }
0xd0: {  	v1 =	vld [tilespmem:s30+$0x0]  }
0xd1: {  	v2 =	vld [tilespmem:s30+$0x10]  }
0xd2: {  	v3 =	vld [tilespmem:s30+$0x20]  }
0xd3: {  	v4 =	vld [tilespmem:s30+$0x30]  }
0xd4: {  	[tilespmem:s30+$0xA070] =	vst.add.f32.msk $0xffff, v0  }
0xd5: {  	v5 =	vld [tilespmem:s30+$0x40]  }
0xd6: {  	v6 =	vld [tilespmem:s30+$0x50]  }
0xd7: {  	v0 =	vld [tilespmem:s30+$0x60]  }
0xd8: {  	[tilespmem:s30+$0xA000] =	vst.add.f32.msk $0xffff, v1  }
.Ltmp6:
0xd9: {  	[tilespmem:s30+$0xA010] =	vst.add.f32.msk $0xffff, v2;
	(pc) =	sbr.rel @p0 .LBB2_16-.Ltmp6, $4  }
0xda: {  	[tilespmem:s30+$0xA020] =	vst.add.f32.msk $0xffff, v3  }
0xdb: {  	[tilespmem:s30+$0xA030] =	vst.add.f32.msk $0xffff, v4  }
0xdc: {  	[tilespmem:s30+$0xA040] =	vst.add.f32.msk $0xffff, v5  }
0xdd: {  	s2 =	sadd.s32 $0x1000, s2;
	[tilespmem:s30+$0xA050] =	vst.add.f32.msk $0xffff, v6  }
0xde: {  	s29 =	sadd.s32 $0x1, s29  }
0xdf: {  	p0 =	sne.s32 s29, $0x8  }
.Ltmp7:
0xe0: {  	_ = 	snop;
	(pc) =	sbr.rel @p0 .LBB2_15-.Ltmp7, $2  }
0xe1: {  	_ =	sdelay $0x2  }
0xe2: {  	[tilespmem:s30+$0xA060] =	vst.add.f32.msk $0xffff, v0;
	s28 =	sadd.s32 $0x200, s28  }
0xe3: {  	s0 =	sadd.s32 s7, s26  }
0xe4: {  	s29 =	simm.s32 $0x0;
	s30 =	smin.u32 s11, $0x1D;
	s2 =	rddreg [dreg:$0xf]  }
0xe5: {  	[hbm4b:s0+s29] =	stream.linear.scatter [tilespmem:s6], [sflag:$0xE], $0x2000, $0x38;
	[tilespmem:$0x14000] =	vst v63  }
0xe6: {  	s0 =	sadd.s32 s30, s2  }
0xe7: {  	s0 =	sshll.u32 s0, $0xA  }
0xe8: {  	s0 =	sadd.s32 s4, s0  }
0xe9: {  	[tilespmem:s29], [sflag:$0x1] =	stream.linear.gather [hbm4b:s0+s29], $0x2000, $0x38;
	[tilespmem:$0x14000] =	vst v63  }
0xea: {  	_ =	swait.ge [sflag:s3], $0x2000  }
0xeb: {  	[sflag:s3] =	ssyncset.done $0x0  }
0xec: {  	s2 =	simm.s32 $0x7;
	[sflag:s3] =	ssyncadd.s32 $0xFFFFE000  }
0xed: {  	_ =	swait.ge [sflag:s2], $0x2000  }
0xee: {  	[sflag:s2] =	ssyncset.done $0x0  }
0xef: {  	s15 =	sadd.s32 $0x10, s15;
	s30 =	simm.s32 $0xB;
	[sflag:s2] =	ssyncadd.s32 $0xFFFFE000  }
0xf0: {  	s0 =	smin.u32 s15, s16;
	_ =	swait.ge [sflag:s30], $0x2000  }
0xf1: {  	s28 =	simm.s32 $0x0;
	s15 =	sshll.u32 s0, $0x7;
	[sflag:s30] =	ssyncset.done $0x0  }
0xf2: {  	s0 =	sadd.s32 s31, s15;
	[sflag:s30] =	ssyncadd.s32 $0xFFFFE000;
	s30 =	simm.s32 $0x4000  }
0xf3: {  	[tilespmem:s30], [sflag:$0x3] =	stream.linear.gather [hbm4b:s0+s29], $0x2000, $0x38;
	[tilespmem:$0x14000] =	vst v63  }
.LBB2_19:
0xf4: {  	s30 =	sshra.s32 s29, $0x2  }
0xf5: {  	v0 =	vld [tilespmem:s30+$0x2070]  }
0xf6: {  	v1 =	vld [tilespmem:s30+$0x2000]  }
0xf7: {  	v2 =	vld [tilespmem:s30+$0x2010]  }
0xf8: {  	v3 =	vld [tilespmem:s30+$0x2020]  }
0xf9: {  	v4 =	vld [tilespmem:s30+$0x2030]  }
0xfa: {  	v5 =	vld [tilespmem:s30+$0x2040]  }
0xfb: {  	v6 =	vld [tilespmem:s30+$0x2050]  }
0xfc: {  	[tilespmem:s30+$0xC070] =	vst.add.f32.msk $0xffff, v0  }
0xfd: {  	v0 =	vld [tilespmem:s30+$0x2060]  }
0xfe: {  	[tilespmem:s30+$0xC000] =	vst.add.f32.msk $0xffff, v1  }
0xff: {  	[tilespmem:s30+$0xC010] =	vst.add.f32.msk $0xffff, v2  }
0x100: {  	[tilespmem:s30+$0xC020] =	vst.add.f32.msk $0xffff, v3  }
0x101: {  	[tilespmem:s30+$0xC030] =	vst.add.f32.msk $0xffff, v4  }
0x102: {  	[tilespmem:s30+$0xC040] =	vst.add.f32.msk $0xffff, v5  }
0x103: {  	s0 =	simm.s32 $0x0;
	s2 =	sadd.s32 $0x1000, s29;
	[tilespmem:s30+$0xC050] =	vst.add.f32.msk $0xffff, v6  }
.LBB2_20:
0x104: {  	s0 =	sadd.s32 $0x8, s0;
	[tilespmem:s30+$0xC060] =	vst.add.f32.msk $0xffff, v0;
	s30 =	sshra.s32 s2, $0x2  }
0x105: {  	v0 =	vld [tilespmem:s30+$0x2070];
	p0 =	slt.u32 s0, $0x38  }
0x106: {  	v1 =	vld [tilespmem:s30+$0x2000]  }
0x107: {  	v2 =	vld [tilespmem:s30+$0x2010]  }
0x108: {  	v3 =	vld [tilespmem:s30+$0x2020]  }
0x109: {  	v4 =	vld [tilespmem:s30+$0x2030]  }
0x10a: {  	[tilespmem:s30+$0xC070] =	vst.add.f32.msk $0xffff, v0  }
0x10b: {  	v5 =	vld [tilespmem:s30+$0x2040]  }
0x10c: {  	v6 =	vld [tilespmem:s30+$0x2050]  }
0x10d: {  	v0 =	vld [tilespmem:s30+$0x2060]  }
0x10e: {  	[tilespmem:s30+$0xC000] =	vst.add.f32.msk $0xffff, v1  }
.Ltmp8:
0x10f: {  	[tilespmem:s30+$0xC010] =	vst.add.f32.msk $0xffff, v2;
	(pc) =	sbr.rel @p0 .LBB2_20-.Ltmp8, $4  }
0x110: {  	[tilespmem:s30+$0xC020] =	vst.add.f32.msk $0xffff, v3  }
0x111: {  	[tilespmem:s30+$0xC030] =	vst.add.f32.msk $0xffff, v4  }
0x112: {  	[tilespmem:s30+$0xC040] =	vst.add.f32.msk $0xffff, v5  }
0x113: {  	s2 =	sadd.s32 $0x1000, s2;
	[tilespmem:s30+$0xC050] =	vst.add.f32.msk $0xffff, v6  }
0x114: {  	s28 =	sadd.s32 $0x1, s28  }
0x115: {  	p0 =	sne.s32 s28, $0x8  }
.Ltmp9:
0x116: {  	_ = 	snop;
	(pc) =	sbr.rel @p0 .LBB2_19-.Ltmp9, $2  }
0x117: {  	_ =	sdelay $0x2  }
0x118: {  	[tilespmem:s30+$0xC060] =	vst.add.f32.msk $0xffff, v0;
	s29 =	sadd.s32 $0x200, s29  }
0x119: {  	s7 =	sor.u32 $0x400, s7;
	s0 =	rddreg [dreg:$0x2];
	s29 =	simm.s32 $0x0  }
0x11a: {  	s2 =	simm.s32 $0xC000;
	s30 =	simm.s32 $0x8;
	s0 =	sadd.s32 s0, s7  }
0x11b: {  	[hbm4b:s0+s29] =	stream.linear.scatter [tilespmem:s2], [sflag:$0xF], $0x2000, $0x38;
	[tilespmem:$0x14000] =	vst v63  }
0x11c: {  	_ =	swait.ge [sflag:s30], $0x2000  }
0x11d: {  	[sflag:s30] =	ssyncset.done $0x0  }
0x11e: {  	[sflag:s30] =	ssyncadd.s32 $0xFFFFE000  }
0x11f: {  	_ =	swait.ge [sflag:s17], $0x2000  }
0x120: {  	s28 =	simm.s32 $0x0;
	[sflag:s17] =	ssyncset.done $0x0  }
0x121: {  	s2 =	sadd.s32 s15, s10;
	s30 =	simm.s32 $0x6000;
	[sflag:s17] =	ssyncadd.s32 $0xFFFFE000  }
0x122: {  	[tilespmem:s30], [sflag:$0x4] =	stream.linear.gather [hbm4b:s2+s29], $0x2000, $0x38;
	[tilespmem:$0x14000] =	vst v63  }
.LBB2_23:
0x123: {  	s30 =	sshra.s32 s29, $0x2  }
0x124: {  	v0 =	vld [tilespmem:s30+$0x2070]  }
0x125: {  	v1 =	vld [tilespmem:s30+$0x2000]  }
0x126: {  	v2 =	vld [tilespmem:s30+$0x2010]  }
0x127: {  	v3 =	vld [tilespmem:s30+$0x2020]  }
0x128: {  	v4 =	vld [tilespmem:s30+$0x2030]  }
0x129: {  	v5 =	vld [tilespmem:s30+$0x2040]  }
0x12a: {  	v6 =	vld [tilespmem:s30+$0x2050]  }
0x12b: {  	[tilespmem:s30+$0xE070] =	vst.add.f32.msk $0xffff, v0  }
0x12c: {  	v0 =	vld [tilespmem:s30+$0x2060]  }
0x12d: {  	[tilespmem:s30+$0xE000] =	vst.add.f32.msk $0xffff, v1  }
0x12e: {  	[tilespmem:s30+$0xE010] =	vst.add.f32.msk $0xffff, v2  }
0x12f: {  	[tilespmem:s30+$0xE020] =	vst.add.f32.msk $0xffff, v3  }
0x130: {  	[tilespmem:s30+$0xE030] =	vst.add.f32.msk $0xffff, v4  }
0x131: {  	[tilespmem:s30+$0xE040] =	vst.add.f32.msk $0xffff, v5  }
0x132: {  	s0 =	simm.s32 $0x0;
	s2 =	sadd.s32 $0x1000, s29;
	[tilespmem:s30+$0xE050] =	vst.add.f32.msk $0xffff, v6  }
.LBB2_24:
0x133: {  	s0 =	sadd.s32 $0x8, s0;
	[tilespmem:s30+$0xE060] =	vst.add.f32.msk $0xffff, v0;
	s30 =	sshra.s32 s2, $0x2  }
0x134: {  	v0 =	vld [tilespmem:s30+$0x2070];
	p0 =	slt.u32 s0, $0x38  }
0x135: {  	v1 =	vld [tilespmem:s30+$0x2000]  }
0x136: {  	v2 =	vld [tilespmem:s30+$0x2010]  }
0x137: {  	v3 =	vld [tilespmem:s30+$0x2020]  }
0x138: {  	v4 =	vld [tilespmem:s30+$0x2030]  }
0x139: {  	[tilespmem:s30+$0xE070] =	vst.add.f32.msk $0xffff, v0  }
0x13a: {  	v5 =	vld [tilespmem:s30+$0x2040]  }
0x13b: {  	v6 =	vld [tilespmem:s30+$0x2050]  }
0x13c: {  	v0 =	vld [tilespmem:s30+$0x2060]  }
0x13d: {  	[tilespmem:s30+$0xE000] =	vst.add.f32.msk $0xffff, v1  }
.Ltmp10:
0x13e: {  	[tilespmem:s30+$0xE010] =	vst.add.f32.msk $0xffff, v2;
	(pc) =	sbr.rel @p0 .LBB2_24-.Ltmp10, $4  }
0x13f: {  	[tilespmem:s30+$0xE020] =	vst.add.f32.msk $0xffff, v3  }
0x140: {  	[tilespmem:s30+$0xE030] =	vst.add.f32.msk $0xffff, v4  }
0x141: {  	[tilespmem:s30+$0xE040] =	vst.add.f32.msk $0xffff, v5  }
0x142: {  	s2 =	sadd.s32 $0x1000, s2;
	[tilespmem:s30+$0xE050] =	vst.add.f32.msk $0xffff, v6  }
0x143: {  	s28 =	sadd.s32 $0x1, s28  }
0x144: {  	p0 =	sne.s32 s28, $0x8  }
.Ltmp11:
0x145: {  	_ = 	snop;
	(pc) =	sbr.rel @p0 .LBB2_23-.Ltmp11, $2  }
0x146: {  	_ =	sdelay $0x2  }
0x147: {  	[tilespmem:s30+$0xE060] =	vst.add.f32.msk $0xffff, v0;
	s29 =	sadd.s32 $0x200, s29  }
0x148: {  	s0 =	sadd.s32 s7, s19;
	s29 =	simm.s32 $0x0;
	s2 =	simm.s32 $0xE000  }
0x149: {  	[hbm4b:s0+s29] =	stream.linear.scatter [tilespmem:s2], [sflag:$0x10], $0x2000, $0x38;
	[tilespmem:$0x14000] =	vst v63  }
0x14a: {  	_ =	swait.ge [sflag:s18], $0x2000  }
0x14b: {  	[sflag:s18] =	ssyncset.done $0x0  }
0x14c: {  	[sflag:s18] =	ssyncadd.s32 $0xFFFFE000  }
0x14d: {  	_ =	swait.ge [sflag:s20], $0x2000  }
0x14e: {  	s30 =	simm.s32 $0x8000;
	[sflag:s20] =	ssyncset.done $0x0  }
0x14f: {  	s28 =	simm.s32 $0x0;
	s2 =	sadd.s32 s15, s12;
	[sflag:s20] =	ssyncadd.s32 $0xFFFFE000  }
0x150: {  	[tilespmem:s30], [sflag:$0x5] =	stream.linear.gather [hbm4b:s2+s29], $0x2000, $0x38;
	[tilespmem:$0x14000] =	vst v63  }
.LBB2_27:
0x151: {  	s30 =	sshra.s32 s29, $0x2  }
0x152: {  	v0 =	vld [tilespmem:s30+$0x2070]  }
0x153: {  	v1 =	vld [tilespmem:s30+$0x2000]  }
0x154: {  	v2 =	vld [tilespmem:s30+$0x2010]  }
0x155: {  	v3 =	vld [tilespmem:s30+$0x2020]  }
0x156: {  	v4 =	vld [tilespmem:s30+$0x2030]  }
0x157: {  	v5 =	vld [tilespmem:s30+$0x2040]  }
0x158: {  	v6 =	vld [tilespmem:s30+$0x2050]  }
0x159: {  	[tilespmem:s30+$0x10070] =	vst.add.f32.msk $0xffff, v0  }
0x15a: {  	v0 =	vld [tilespmem:s30+$0x2060]  }
0x15b: {  	[tilespmem:s30+$0x10000] =	vst.add.f32.msk $0xffff, v1  }
0x15c: {  	[tilespmem:s30+$0x10010] =	vst.add.f32.msk $0xffff, v2  }
0x15d: {  	[tilespmem:s30+$0x10020] =	vst.add.f32.msk $0xffff, v3  }
0x15e: {  	[tilespmem:s30+$0x10030] =	vst.add.f32.msk $0xffff, v4  }
0x15f: {  	[tilespmem:s30+$0x10040] =	vst.add.f32.msk $0xffff, v5  }
0x160: {  	s0 =	simm.s32 $0x0;
	s2 =	sadd.s32 $0x1000, s29;
	[tilespmem:s30+$0x10050] =	vst.add.f32.msk $0xffff, v6  }
.LBB2_28:
0x161: {  	s0 =	sadd.s32 $0x8, s0;
	[tilespmem:s30+$0x10060] =	vst.add.f32.msk $0xffff, v0;
	s30 =	sshra.s32 s2, $0x2  }
0x162: {  	v0 =	vld [tilespmem:s30+$0x2070];
	p0 =	slt.u32 s0, $0x38  }
0x163: {  	v1 =	vld [tilespmem:s30+$0x2000]  }
0x164: {  	v2 =	vld [tilespmem:s30+$0x2010]  }
0x165: {  	v3 =	vld [tilespmem:s30+$0x2020]  }
0x166: {  	v4 =	vld [tilespmem:s30+$0x2030]  }
0x167: {  	[tilespmem:s30+$0x10070] =	vst.add.f32.msk $0xffff, v0  }
0x168: {  	v5 =	vld [tilespmem:s30+$0x2040]  }
0x169: {  	v6 =	vld [tilespmem:s30+$0x2050]  }
0x16a: {  	v0 =	vld [tilespmem:s30+$0x2060]  }
0x16b: {  	[tilespmem:s30+$0x10000] =	vst.add.f32.msk $0xffff, v1  }
.Ltmp12:
0x16c: {  	[tilespmem:s30+$0x10010] =	vst.add.f32.msk $0xffff, v2;
	(pc) =	sbr.rel @p0 .LBB2_28-.Ltmp12, $4  }
0x16d: {  	[tilespmem:s30+$0x10020] =	vst.add.f32.msk $0xffff, v3  }
0x16e: {  	[tilespmem:s30+$0x10030] =	vst.add.f32.msk $0xffff, v4  }
0x16f: {  	[tilespmem:s30+$0x10040] =	vst.add.f32.msk $0xffff, v5  }
0x170: {  	s2 =	sadd.s32 $0x1000, s2;
	[tilespmem:s30+$0x10050] =	vst.add.f32.msk $0xffff, v6  }
0x171: {  	s28 =	sadd.s32 $0x1, s28  }
0x172: {  	p0 =	sne.s32 s28, $0x8  }
.Ltmp13:
0x173: {  	_ = 	snop;
	(pc) =	sbr.rel @p0 .LBB2_27-.Ltmp13, $2  }
0x174: {  	_ =	sdelay $0x2  }
0x175: {  	[tilespmem:s30+$0x10060] =	vst.add.f32.msk $0xffff, v0;
	s29 =	sadd.s32 $0x200, s29  }
0x176: {  	s0 =	sadd.s32 s7, s21;
	s29 =	simm.s32 $0x0;
	s2 =	simm.s32 $0x10000  }
0x177: {  	[hbm4b:s0+s29] =	stream.linear.scatter [tilespmem:s2], [sflag:$0x11], $0x2000, $0x38;
	[tilespmem:$0x14000] =	vst v63  }
0x178: {  	_ =	swait.ge [sflag:s22], $0x2000  }
0x179: {  	[sflag:s22] =	ssyncset.done $0x0  }
0x17a: {  	[sflag:s22] =	ssyncadd.s32 $0xFFFFE000  }
0x17b: {  	_ =	swait.ge [sflag:s23], $0x2000  }
0x17c: {  	[sflag:s23] =	ssyncset.done $0x0  }
0x17d: {  	s30 =	sadd.s32 s15, s13;
	s15 =	simm.s32 $0x0;
	[sflag:s23] =	ssyncadd.s32 $0xFFFFE000  }
0x17e: {  	[tilespmem:s6], [sflag:$0x6] =	stream.linear.gather [hbm4b:s30+s29], $0x2000, $0x38;
	[tilespmem:$0x14000] =	vst v63  }
.LBB2_31:
0x17f: {  	s28 =	sshra.s32 s29, $0x2  }
0x180: {  	v0 =	vld [tilespmem:s28+$0x2070]  }
0x181: {  	v1 =	vld [tilespmem:s28+$0x2000]  }
0x182: {  	v2 =	vld [tilespmem:s28+$0x2010]  }
0x183: {  	v3 =	vld [tilespmem:s28+$0x2020]  }
0x184: {  	v4 =	vld [tilespmem:s28+$0x2030]  }
0x185: {  	v5 =	vld [tilespmem:s28+$0x2040]  }
0x186: {  	v6 =	vld [tilespmem:s28+$0x2050]  }
0x187: {  	[tilespmem:s28+$0x12070] =	vst.add.f32.msk $0xffff, v0  }
0x188: {  	v0 =	vld [tilespmem:s28+$0x2060]  }
0x189: {  	[tilespmem:s28+$0x12000] =	vst.add.f32.msk $0xffff, v1  }
0x18a: {  	[tilespmem:s28+$0x12010] =	vst.add.f32.msk $0xffff, v2  }
0x18b: {  	[tilespmem:s28+$0x12020] =	vst.add.f32.msk $0xffff, v3  }
0x18c: {  	[tilespmem:s28+$0x12030] =	vst.add.f32.msk $0xffff, v4  }
0x18d: {  	[tilespmem:s28+$0x12040] =	vst.add.f32.msk $0xffff, v5  }
0x18e: {  	s0 =	simm.s32 $0x0;
	s2 =	sadd.s32 $0x1000, s29;
	[tilespmem:s28+$0x12050] =	vst.add.f32.msk $0xffff, v6  }
.LBB2_32:
0x18f: {  	s0 =	sadd.s32 $0x8, s0;
	[tilespmem:s28+$0x12060] =	vst.add.f32.msk $0xffff, v0;
	s28 =	sshra.s32 s2, $0x2  }
0x190: {  	v0 =	vld [tilespmem:s28+$0x2070];
	p0 =	slt.u32 s0, $0x38  }
0x191: {  	v1 =	vld [tilespmem:s28+$0x2000]  }
0x192: {  	v2 =	vld [tilespmem:s28+$0x2010]  }
0x193: {  	v3 =	vld [tilespmem:s28+$0x2020]  }
0x194: {  	v4 =	vld [tilespmem:s28+$0x2030]  }
0x195: {  	[tilespmem:s28+$0x12070] =	vst.add.f32.msk $0xffff, v0  }
0x196: {  	v5 =	vld [tilespmem:s28+$0x2040]  }
0x197: {  	v6 =	vld [tilespmem:s28+$0x2050]  }
0x198: {  	v0 =	vld [tilespmem:s28+$0x2060]  }
0x199: {  	[tilespmem:s28+$0x12000] =	vst.add.f32.msk $0xffff, v1  }
.Ltmp14:
0x19a: {  	[tilespmem:s28+$0x12010] =	vst.add.f32.msk $0xffff, v2;
	(pc) =	sbr.rel @p0 .LBB2_32-.Ltmp14, $4  }
0x19b: {  	[tilespmem:s28+$0x12020] =	vst.add.f32.msk $0xffff, v3  }
0x19c: {  	[tilespmem:s28+$0x12030] =	vst.add.f32.msk $0xffff, v4  }
0x19d: {  	[tilespmem:s28+$0x12040] =	vst.add.f32.msk $0xffff, v5  }
0x19e: {  	s2 =	sadd.s32 $0x1000, s2;
	[tilespmem:s28+$0x12050] =	vst.add.f32.msk $0xffff, v6  }
0x19f: {  	s15 =	sadd.s32 $0x1, s15  }
0x1a0: {  	p0 =	sne.s32 s15, $0x8  }
.Ltmp15:
0x1a1: {  	_ = 	snop;
	(pc) =	sbr.rel @p0 .LBB2_31-.Ltmp15, $2  }
0x1a2: {  	_ =	sdelay $0x2  }
0x1a3: {  	[tilespmem:s28+$0x12060] =	vst.add.f32.msk $0xffff, v0;
	s29 =	sadd.s32 $0x200, s29  }
0x1a4: {  	s0 =	sadd.s32 s7, s26;
	s2 =	simm.s32 $0x12000;
	s24 =	sadd.s32 $0x1, s24  }
0x1a5: {  	[hbm4b:s0+s5] =	stream.linear.scatter [tilespmem:s2], [sflag:$0x12], $0x2000, $0x38;
	[tilespmem:$0x14000] =	vst v63  }
0x1a6: {  	p0 =	sne.s32 s24, $0x10  }
.Ltmp16:
0x1a7: {  	s28 =	smin.u32 s11, $0x1C;
	s29 =	rddreg [dreg:$0x10];
	(pc) =	sbr.rel @p0 .LBB2_2-.Ltmp16, $4  }
0x1a8: {  	s0 =	sadd.s32 s28, s29  }
0x1a9: {  	s0 =	sshll.u32 s0, $0xA  }
0x1aa: {  	s30 =	simm.s32 $0x2000;
	s0 =	sadd.s32 s4, s0  }
0x1ab: {  	[tilespmem:s30], [sflag:$0x2] =	stream.linear.gather [hbm4b:s0+s5], $0x2000, $0x38;
	[tilespmem:$0x14000] =	vst v63  }
0x1ac: {  	s0 =	simm.s32 $0xF  }
0x1ad: {  	_ =	swait.ge [sflag:s0], $0x2000  }
0x1ae: {  	[sflag:s0] =	ssyncset.done $0x0  }
0x1af: {  	[sflag:s0] =	ssyncadd.s32 $0xFFFFE000  }
0x1b0: {  	_ =	swait.ge [sflag:s8], $0x2000  }
0x1b1: {  	[sflag:s8] =	ssyncset.done $0x0  }
0x1b2: {  	s24 =	simm.s32 $0x10;
	[sflag:s8] =	ssyncadd.s32 $0xFFFFE000  }
0x1b3: {  	_ =	swait.ge [sflag:s24], $0x2000  }
0x1b4: {  	[sflag:s24] =	ssyncset.done $0x0  }
0x1b5: {  	[sflag:s24] =	ssyncadd.s32 $0xFFFFE000  }
0x1b6: {  	_ =	swait.ge [sflag:s14], $0x2000  }
0x1b7: {  	[sflag:s14] =	ssyncset.done $0x0  }
0x1b8: {  	s28 =	simm.s32 $0x11;
	[sflag:s14] =	ssyncadd.s32 $0xFFFFE000  }
0x1b9: {  	_ =	swait.ge [sflag:s28], $0x2000  }
0x1ba: {  	[sflag:s28] =	ssyncset.done $0x0  }
0x1bb: {  	[sflag:s28] =	ssyncadd.s32 $0xFFFFE000  }
0x1bc: {  	_ =	swait.ge [sflag:s25], $0x2000  }
0x1bd: {  	[sflag:s25] =	ssyncset.done $0x0  }
0x1be: {  	s29 =	simm.s32 $0x12;
	[sflag:s25] =	ssyncadd.s32 $0xFFFFE000  }
0x1bf: {  	_ =	swait.ge [sflag:s29], $0x2000  }
0x1c0: {  	[sflag:s29] =	ssyncset.done $0x0  }
0x1c1: {  	[sflag:s29] =	ssyncadd.s32 $0xFFFFE000  }
0x1c2: {  	_ =	swait.ge [sflag:s9], $0x2000  }
0x1c3: {  	[sflag:s9] =	ssyncset.done $0x0  }
0x1c4: {  	[sflag:s9] =	ssyncadd.s32 $0xFFFFE000  }
0x1c5: {  	_ =	swait.ge [sflag:s1], $0x2000  }
0x1c6: {  	[sflag:s1] =	ssyncset.done $0x0  }
0x1c7: {  	[sflag:s1] =	ssyncadd.s32 $0xFFFFE000  }
0x1c8: {  	_ =	swait.ge [sflag:s3], $0x2000  }
0x1c9: {  	s2 =	rddreg [dreg:$0x12]  }
0x1ca: {  	s30 =	rddreg [dreg:$0x11];
	s2 =	sadd.s32 $0x1, s2  }
0x1cb: {  	p0 =	sne.s32 s2, s30  }
.Ltmp17:
0x1cc: {  	_ = 	snop;
	(pc) =	sbr.rel @p0 .LBB2_1-.Ltmp17, $3  }
0x1cd: {  	_ =	sdelay $0x1  }
0x1ce: {  	[sflag:s3] =	ssyncset.done $0x0  }
0x1cf: {  	[sflag:s3] =	ssyncadd.s32 $0xFFFFE000  }
0x1d0: {  	_ =	sfence.sel $0x180000  }
0x1d1: {  	[bflag:$0x0] =	sbarrier.arrive $0xFFFF  }
0x1d2: {  	_ =	strace $0x90000047  }
0x1d3: {  	s0 =	stileid.u32;
	[bflag:$0x2] =	sbarrier.arrive $0xFFFF  }
0x1d4: {  	p0 =	sne.s32 s0, $0x0;
	s0 =	rddreg [dreg:$0x3]  }
0x1d5: {  	s0 =	sadd.s32 @!p0 $0x100000, s0  }
0x1d6: {  	[sflag:s0] =	ssyncadd.tile.s32 @!p0 $0x1;
	_ =	shalt  }
.Lfunc_end2:
_tile_overlayer_lowered:
.L_overlay_start_2:
0x1d7: {  	(tag) =	ssettag $0x2  }
0x1d8: {  	s0 =	rddreg [dreg:$0x0];
	s2 =	stileid.u32  }
0x1d9: {  	s1 =	rddreg [dreg:$0x1];
	p0 =	sne.s32 s2, $0x0  }
0x1da: {  	s3 =	rddreg [dreg:$0x2];
	[bflag:$0x3] =	sbarrier.arrive $0xFFFF;
	s2 =	simm.s32 @!p0 $0x1C13  }
0x1db: {  	[timem:s3], [sflag:s2] =	dma.local @!p0 [hbm:s0], s1  }
0x1dc: {  	s0 =	simm.s32 @!p0 $0x13  }
0x1dd: {  	_ =	swait.ge @!p0 [sflag:s0], s1  }
0x1de: {  	s1 =	ssub.s32 @!p0 $0x0, s1;
	[sflag:s0] =	ssyncset.done @!p0 $0x0  }
0x1df: {  	[sflag:s0] =	ssyncadd.s32 @!p0 s1  }
0x1e0: {  	[bflag:$0x3] =	sbarrier.arrive $0xFFFF  }
0x1e1: {  	_ =	shalt  }

</sc_bundles>
